<compile_context>
chip_gen: v7x
topology: tpu7x:2x2x1
jax: 0.10.2.dev20260603
libtpu: 0.0.44.dev20260713+nightly
codegen_flags: <defaults>
</compile_context>

<pallas_src>
import functools

import jax
import jax.numpy as jnp
from jax import lax
from jax.experimental import pallas as pl
from jax.experimental.pallas import tpu as pltpu
from jax.experimental.pallas import tpu_sc as plsc
from jax.experimental import layout as jxl

_NUM = 13
_CAT = 26
_H = 32
_VOCAB = 100000


_VB = 4096
_QL = _VB // 4


def _tc_detile(tabT):
    V = 100000
    NJ = (V + _VB - 1) // _VB

    def body(in_ref, eye_ref, out_ref):
        acc = None
        for q in range(4):
            t = jax.lax.dot_general(
                in_ref[0, :, q * _QL:(q + 1) * _QL],
                eye_ref[q * _H:(q + 1) * _H, :],
                (((0,), (0,)), ((), ())),
                preferred_element_type=jnp.float32)
            acc = t if acc is None else acc + t
        out_ref[0] = acc

    return pl.pallas_call(
        body,
        grid=(_CAT, NJ),
        in_specs=[pl.BlockSpec((1, _H, _VB), lambda c, j: (c, 0, j)),
                  pl.BlockSpec((128, 128), lambda c, j: (0, 0))],
        out_specs=pl.BlockSpec((1, _QL, 128), lambda c, j: (c, j, 0)),
        out_shape=jax.ShapeDtypeStruct((_CAT, NJ * _QL, 128), jnp.float32),
        compiler_params=pltpu.CompilerParams(
            dimension_semantics=("parallel", "parallel")),
    )(tabT, jnp.eye(128, dtype=jnp.float32))


def _sc_gather(tab32, pidx2d):
    NW = 32
    NPOS = 16384 * 28
    per_w = NPOS // NW
    K = 1024
    JROWS = K // 128
    nchunk = per_w // K
    mesh = plsc.VectorSubcoreMesh(core_axis_name="c", subcore_axis_name="s")

    @functools.partial(
        pl.kernel,
        mesh=mesh,
        out_type=jax.ShapeDtypeStruct((NPOS, _H), jnp.float32),
        scratch_types=[
            pltpu.VMEM((JROWS, 128), jnp.int32),
            pltpu.VMEM((K, _H), jnp.float32),
            pltpu.SemaphoreType.DMA,
        ],
        compiler_params=pltpu.CompilerParams(use_tc_tiling_on_sc=False),
    )
    def gather_kernel(tab_hbm, pidx_hbm, out_hbm, idx_v, rows_v, sem):
        cid = lax.axis_index("c")
        sid = lax.axis_index("s")
        wid = sid * 2 + cid
        base = wid * per_w

        def chunk(i, carry):
            off = pl.multiple_of(base + i * K, K)
            row0 = pl.multiple_of(off // 128, JROWS)
            pltpu.sync_copy(pidx_hbm.at[pl.ds(row0, JROWS)], idx_v)
            cps = [
                pltpu.async_copy(
                    tab_hbm.at[idx_v.at[j]],
                    rows_v.at[pl.ds(j * 128, 128)],
                    sem,
                )
                for j in range(JROWS)
            ]
            for c in cps:
                c.wait()
            pltpu.sync_copy(rows_v, out_hbm.at[pl.ds(off, K)])
            return carry

        lax.fori_loop(0, nchunk, chunk, 0)

    return gather_kernel(tab32, pidx2d)


def _tc_bn(x, W_exp, b_flat, cat2d, g_n, bt_n, g_c, bt_c):
    B = x.shape[0]
    DN = W_exp.shape[1]
    DC = 832
    DCP = cat2d.shape[1]
    NB = 16
    Bb = B // NB
    inv_b = 1.0 / B

    def body(x_ref, w_ref, b_ref, cat_ref, gn_ref, bn_ref, gc_ref, bc_ref,
             out_ref, stn_ref, stc_ref):
        p = pl.program_id(0)
        i = pl.program_id(1)
        xb = x_ref[...]
        en = jnp.maximum(
            jnp.dot(xb, w_ref[...], preferred_element_type=jnp.float32)
            + b_ref[...], 0.0)
        cb = cat_ref[...][:, :DC]

        @pl.when(jnp.logical_and(p == 0, i == 0))
        def _init():
            stn_ref[...] = jnp.zeros_like(stn_ref)
            stc_ref[...] = jnp.zeros_like(stc_ref)

        @pl.when(p == 0)
        def _stats():
            stn_ref[0:1, :] += jnp.sum(en, axis=0, keepdims=True)
            stn_ref[1:2, :] += jnp.sum(en * en, axis=0, keepdims=True)
            stc_ref[0:1, :] += jnp.sum(cb, axis=0, keepdims=True)
            stc_ref[1:2, :] += jnp.sum(cb * cb, axis=0, keepdims=True)

        @pl.when(jnp.logical_and(p == 0, i == NB - 1))
        def _finalize():
            mean_n = stn_ref[0:1, :] * inv_b
            var_n = stn_ref[1:2, :] * inv_b - mean_n * mean_n
            sc_n = gn_ref[...] * lax.rsqrt(var_n + 1e-5)
            stn_ref[2:3, :] = sc_n
            stn_ref[3:4, :] = bn_ref[...] - mean_n * sc_n
            mean_c = stc_ref[0:1, :] * inv_b
            var_c = stc_ref[1:2, :] * inv_b - mean_c * mean_c
            sc_c = gc_ref[...] * lax.rsqrt(var_c + 1e-5)
            stc_ref[2:3, :] = sc_c
            stc_ref[3:4, :] = bc_ref[...] - mean_c * sc_c

        @pl.when(p == 1)
        def _write():
            out_ref[:, :DN] = en * stn_ref[2:3, :] + stn_ref[3:4, :]
            out_ref[:, DN:] = cb * stc_ref[2:3, :] + stc_ref[3:4, :]

    return pl.pallas_call(
        body,
        grid=(2, NB),
        in_specs=[
            pl.BlockSpec((Bb, _NUM), lambda p, i: (i, 0)),
            pl.BlockSpec((_NUM, DN), lambda p, i: (0, 0)),
            pl.BlockSpec((1, DN), lambda p, i: (0, 0)),
            pl.BlockSpec((Bb, DCP), lambda p, i: (i, 0)),
            pl.BlockSpec((1, DN), lambda p, i: (0, 0)),
            pl.BlockSpec((1, DN), lambda p, i: (0, 0)),
            pl.BlockSpec((1, DC), lambda p, i: (0, 0)),
            pl.BlockSpec((1, DC), lambda p, i: (0, 0)),
        ],
        out_specs=pl.BlockSpec(
            (Bb, DN + DC), lambda p, i: (jnp.where(p == 0, 0, i), 0)),
        out_shape=jax.ShapeDtypeStruct((B, DN + DC), jnp.float32),
        scratch_shapes=[
            pltpu.VMEM((4, DN), jnp.float32),
            pltpu.VMEM((4, DC), jnp.float32),
        ],
        compiler_params=pltpu.CompilerParams(
            dimension_semantics=("arbitrary", "arbitrary")),
    )(x, W_exp, b_flat, cat2d, g_n, bt_n, g_c, bt_c)


def kernel(input_data, num_W, num_b, cat_tables, bn_gamma, bn_beta):
    B = input_data.shape[0]
    x = input_data[:, :_NUM]
    idx = input_data[:, _NUM:].astype(jnp.int32)
    line = ((jnp.arange(_CAT, dtype=jnp.int32) * 25600)[None, :]
            + (idx // _VB) * _QL + idx % _QL)
    q = (idx % _VB) // _QL
    pidx = line * 4 + q
    pad2 = jnp.zeros((B, 2), jnp.int32)
    pidx2d = jnp.concatenate([pidx, pad2], axis=1).reshape(B * 28 // 128, 128)

    tab_lines = _tc_detile(cat_tables.transpose(0, 2, 1))
    tab32 = jxl.with_layout_constraint(
        tab_lines.reshape(_CAT * 25600 * 4, _H),
        jxl.Layout((0, 1), ((8, _H),)))

    emb = _sc_gather(tab32, pidx2d)
    cat2d = emb.reshape(B, 28 * _H)

    DN = _NUM * _H
    W_exp = (num_W[:, None, :]
             * jnp.eye(_NUM, dtype=jnp.float32)[:, :, None]).reshape(_NUM, DN)
    b_flat = num_b.reshape(1, DN)
    g_n = bn_gamma[:DN].reshape(1, DN)
    bt_n = bn_beta[:DN].reshape(1, DN)
    g_c = bn_gamma[DN:].reshape(1, _CAT * _H)
    bt_c = bn_beta[DN:].reshape(1, _CAT * _H)

    out2d = _tc_bn(x, W_exp, b_flat, cat2d, g_n, bt_n, g_c, bt_c)
    return out2d.reshape(B, _NUM + _CAT, _H)

# --- scband reference (transcript-rebuilt; emitter-appended) ---
"""Pipeline reference for scband-feature-embedding-27702539059310 (READ-ONLY COPY).

The authoritative reference and input builder live on the scoring server;
editing this copy changes nothing except your own understanding.
"""

import jax, jax.numpy as jnp
import numpy as np

NUM_COLS = 13
CAT_COLS = 26
HIDDEN = 32
VOCAB = 100000
BATCH = 16384


def setup_inputs(seed: int = 0) -> dict:
    key = jax.random.key(seed)
    k1, k2, k3, k4 = jax.random.split(key, 4)
    num_part = jax.random.normal(k1, (BATCH, NUM_COLS), dtype=jnp.float32)
    cat_part = jax.random.randint(k2, (BATCH, CAT_COLS), 0, VOCAB).astype(jnp.float32)
    input_data = jnp.concatenate([num_part, cat_part], axis=1)
    # Linear(1, hidden) per numeric column: weight [hidden, 1] -> stored as [NUM_COLS, HIDDEN]
    num_W = jax.random.normal(k3, (NUM_COLS, HIDDEN), dtype=jnp.float32) * 0.1
    num_b = jnp.zeros((NUM_COLS, HIDDEN), dtype=jnp.float32)
    # 26 embedding tables, each [VOCAB, HIDDEN]
    cat_tables = jax.random.normal(k4, (CAT_COLS, VOCAB, HIDDEN), dtype=jnp.float32) * 0.05
    bn_gamma = jnp.ones(((NUM_COLS + CAT_COLS) * HIDDEN,), dtype=jnp.float32)
    bn_beta = jnp.zeros(((NUM_COLS + CAT_COLS) * HIDDEN,), dtype=jnp.float32)
    return {
        "input_data": input_data,
        "num_W": num_W,
        "num_b": num_b,
        "cat_tables": cat_tables,
        "bn_gamma": bn_gamma,
        "bn_beta": bn_beta,
    }


def reference(input_data, num_W, num_b, cat_tables, bn_gamma, bn_beta):
    B = input_data.shape[0]
    n_cols = NUM_COLS + CAT_COLS
    # numeric path: per-column Linear(1, hidden)
    num_data = input_data[:, :NUM_COLS]  # [B, 13]
    emb_num = num_data[:, :, None] * num_W[None, :, :] + num_b[None, :, :]  # [B, 13, H]
    emb_num = emb_num.reshape(B, NUM_COLS * HIDDEN)
    emb_num = jax.nn.relu(emb_num)
    # categorical path: per-field embedding lookup
    idx = jax.lax.stop_gradient(input_data[:, NUM_COLS:]).astype(jnp.int32)  # [B, 26]
    emb_cat = cat_tables[jnp.arange(CAT_COLS)[None, :], idx]  # [B, 26, H]
    emb_cat = emb_cat.reshape(B, CAT_COLS * HIDDEN)
    fe = jnp.concatenate([emb_num, emb_cat], axis=1)  # [B, 39*H]
    # BatchNorm1d (training-mode batch statistics, affine)
    mean = jnp.mean(fe, axis=0)
    var = jnp.var(fe, axis=0)
    fe = (fe - mean) / jnp.sqrt(var + 1e-5) * bn_gamma + bn_beta
    return fe.reshape(B, n_cols, HIDDEN)

if __name__ == "__main__":
    import jax
    _d = setup_inputs()
    print(jax.jit(kernel)(*tuple(_d.values())))

</pallas_src>

<mosaic_0001>
#map = affine_map<(d0, d1) -> (0, 0)>
module attributes {stable_mosaic.version = 14 : i64} {
  func.func @gather_kernel(%arg0: i32, %arg1: i32, %arg2: memref<2662400x32xf32, #tpu.memory_space<hbm>>, %arg3: memref<3584x128xi32, #tpu.memory_space<hbm>>, %arg4: memref<458752x32xf32, #tpu.memory_space<hbm>>, %arg5: memref<8x128xi32, #tpu.memory_space<vmem>>, %arg6: memref<1024x32xf32, #tpu.memory_space<vmem>>, %arg7: memref<!tpu.dma_semaphore, #tpu.memory_space<semaphore_mem>>) attributes {dimension_semantics = [#tpu.dimension_semantics<core_parallel>, #tpu.dimension_semantics<subcore_parallel>], iteration_bounds = array<i64: 2, 16>, scalar_prefetch = 0 : i64, scratch_operands = 3 : i64, tpu.core_type = #tpu.core_type<sc_vector_subcore>, window_params = [{transform_indices = #map}, {transform_indices = #map}, {transform_indices = #map}]} {
    %mul3A = arith.constant 2 : i32
    %mul3A_0 = arith.muli %arg1, %mul3A : i32
    %add3A = arith.addi %mul3A_0, %arg0 : i32
    %mul3A_1 = arith.constant 14336 : i32
    %mul3A_2 = arith.muli %add3A, %mul3A_1 : i32
    %scan3A = arith.constant 0 : i32
    %scan3A_3 = arith.constant 0 : i32
    %scan3A_4 = arith.constant 14 : i32
    %scan3A_5 = arith.addi %scan3A_3, %scan3A_4 : i32
    %scan3A_6 = arith.constant 1 : i32
    scf.for %scan3A_8 = %scan3A_3 to %scan3A_5 step %scan3A_6  : i32 {
      %mul3A_9 = arith.constant 1024 : i32
      %mul3A_10 = arith.muli %scan3A_8, %mul3A_9 : i32
      %add3A_11 = arith.addi %mul3A_2, %mul3A_10 : i32
      %multiple_of3A = tpu.assume_multiple %add3A_11, 1024 : i32
      %jit3A = arith.constant 128 : i32
      %div3A = arith.divsi %multiple_of3A, %jit3A : i32
      %sign3A = arith.constant 0 : i32
      %sign3A_12 = arith.cmpi sgt, %multiple_of3A, %sign3A : i32
      %sign3A_13 = arith.extui %sign3A_12 : i1 to i32
      %sign3A_14 = arith.constant 0 : i32
      %sign3A_15 = arith.cmpi slt, %multiple_of3A, %sign3A_14 : i32
      %sign3A_16 = arith.extui %sign3A_15 : i1 to i32
      %sign3A_17 = arith.subi %sign3A_13, %sign3A_16 : i32
      %sign3A_18 = arith.constant 0 : i32
      %sign3A_19 = arith.cmpi sgt, %jit3A, %sign3A_18 : i32
      %sign3A_20 = arith.extui %sign3A_19 : i1 to i32
      %sign3A_21 = arith.constant 0 : i32
      %sign3A_22 = arith.cmpi slt, %jit3A, %sign3A_21 : i32
      %sign3A_23 = arith.extui %sign3A_22 : i1 to i32
      %sign3A_24 = arith.subi %sign3A_20, %sign3A_23 : i32
      %ne3A = arith.cmpi ne, %sign3A_17, %sign3A_24 : i32
      %rem3A = arith.remsi %multiple_of3A, %jit3A : i32
      %ne3A_25 = arith.constant 0 : i32
      %ne3A_26 = arith.cmpi ne, %rem3A, %ne3A_25 : i32
      %and3A = arith.andi %ne3A, %ne3A_26 : i1
      %sub3A = arith.constant 1 : i32
      %sub3A_27 = arith.subi %div3A, %sub3A : i32
      %select_n3A = arith.select %and3A, %sub3A_27, %div3A : i32
      %multiple_of3A_28 = tpu.assume_multiple %select_n3A, 8 : i32
      "tpu.region"() ({
        %run_scoped3A = tpu.sem_alloc : memref<!tpu.dma_semaphore, #tpu.memory_space<semaphore_mem>>
        %dma_start3A_187 = arith.constant 0 : i32
        %dma_start3A_188 = tpu.memref_slice %arg3[%multiple_of3A_28, %dma_start3A_187] : memref<3584x128xi32, #tpu.memory_space<hbm>> -> memref<8x128xi32, #tpu.memory_space<hbm>>
        %dma_start3A_189 = arith.constant 0 : i32
        %dma_start3A_190 = tpu.memref_slice %arg3[%multiple_of3A_28, %dma_start3A_189] : memref<3584x128xi32, #tpu.memory_space<hbm>> -> memref<8x128xi32, #tpu.memory_space<hbm>>
        tpu.enqueue_dma source(%dma_start3A_190 : memref<8x128xi32, #tpu.memory_space<hbm>>) target(%arg5 : memref<8x128xi32, #tpu.memory_space<vmem>>) target_semaphore(%run_scoped3A : memref<!tpu.dma_semaphore, #tpu.memory_space<semaphore_mem>>)
        %dma_wait3A_191 = arith.constant 0 : i32
        %dma_wait3A_192 = tpu.memref_slice %arg3[%multiple_of3A_28, %dma_wait3A_191] : memref<3584x128xi32, #tpu.memory_space<hbm>> -> memref<8x128xi32, #tpu.memory_space<hbm>>
        %dma_wait3A_193 = arith.constant 0 : i32
        %dma_wait3A_194 = tpu.memref_slice %arg3[%multiple_of3A_28, %dma_wait3A_193] : memref<3584x128xi32, #tpu.memory_space<hbm>> -> memref<8x128xi32, #tpu.memory_space<hbm>>
        tpu.wait_dma2 semaphore(%run_scoped3A : memref<!tpu.dma_semaphore, #tpu.memory_space<semaphore_mem>>) src(%dma_wait3A_194 : memref<8x128xi32, #tpu.memory_space<hbm>>) dst(%arg5 : memref<8x128xi32, #tpu.memory_space<vmem>>)
        tpu.yield
      }) : () -> ()
      %dma_start3A = arith.constant 0 : i32
      %dma_start3A_29 = arith.constant 0 : i32
      %dma_start3A_30 = arith.constant 0 : i32
      %dma_start3A_31 = tpu.memref_slice %arg6[%dma_start3A_29, %dma_start3A_30] : memref<1024x32xf32, #tpu.memory_space<vmem>> -> memref<128x32xf32, #tpu.memory_space<vmem>>
      %dma_start3A_32 = arith.constant 0 : i32
      %dma_start3A_33 = tpu.memref_slice %arg5[%dma_start3A, %dma_start3A_32] : memref<8x128xi32, #tpu.memory_space<vmem>> -> memref<1x128xi32, #tpu.memory_space<vmem>>
      %dma_start3A_34 = tpu.memref_squeeze %dma_start3A_33 : memref<1x128xi32, #tpu.memory_space<vmem>> -> memref<128xi32, #tpu.memory_space<vmem>>
      %dma_start3A_35 = arith.constant 0 : i32
      %dma_start3A_36 = arith.constant 0 : i32
      %dma_start3A_37 = tpu.memref_slice %arg2[%dma_start3A_35, %dma_start3A_36] : memref<2662400x32xf32, #tpu.memory_space<hbm>> -> memref<2662400x32xf32, #tpu.memory_space<hbm>>
      tpu.enqueue_indirect_dma source(%dma_start3A_37 : memref<2662400x32xf32, #tpu.memory_space<hbm>>) target(%dma_start3A_31 : memref<128x32xf32, #tpu.memory_space<vmem>>) offsets(%dma_start3A_34 : memref<128xi32, #tpu.memory_space<vmem>>) semaphore(%arg7 : memref<!tpu.dma_semaphore, #tpu.memory_space<semaphore_mem>>)
      %dma_start3A_38 = arith.constant 1 : i32
      %dma_start3A_39 = arith.constant 128 : i32
      %dma_start3A_40 = arith.constant 0 : i32
      %dma_start3A_41 = tpu.memref_slice %arg6[%dma_start3A_39, %dma_start3A_40] : memref<1024x32xf32, #tpu.memory_space<vmem>> -> memref<128x32xf32, #tpu.memory_space<vmem>>
      %dma_start3A_42 = arith.constant 0 : i32
      %dma_start3A_43 = tpu.memref_slice %arg5[%dma_start3A_38, %dma_start3A_42] : memref<8x128xi32, #tpu.memory_space<vmem>> -> memref<1x128xi32, #tpu.memory_space<vmem>>
      %dma_start3A_44 = tpu.memref_squeeze %dma_start3A_43 : memref<1x128xi32, #tpu.memory_space<vmem>> -> memref<128xi32, #tpu.memory_space<vmem>>
      %dma_start3A_45 = arith.constant 0 : i32
      %dma_start3A_46 = arith.constant 0 : i32
      %dma_start3A_47 = tpu.memref_slice %arg2[%dma_start3A_45, %dma_start3A_46] : memref<2662400x32xf32, #tpu.memory_space<hbm>> -> memref<2662400x32xf32, #tpu.memory_space<hbm>>
      tpu.enqueue_indirect_dma source(%dma_start3A_47 : memref<2662400x32xf32, #tpu.memory_space<hbm>>) target(%dma_start3A_41 : memref<128x32xf32, #tpu.memory_space<vmem>>) offsets(%dma_start3A_44 : memref<128xi32, #tpu.memory_space<vmem>>) semaphore(%arg7 : memref<!tpu.dma_semaphore, #tpu.memory_space<semaphore_mem>>)
      %dma_start3A_48 = arith.constant 2 : i32
      %dma_start3A_49 = arith.constant 256 : i32
      %dma_start3A_50 = arith.constant 0 : i32
      %dma_start3A_51 = tpu.memref_slice %arg6[%dma_start3A_49, %dma_start3A_50] : memref<1024x32xf32, #tpu.memory_space<vmem>> -> memref<128x32xf32, #tpu.memory_space<vmem>>
      %dma_start3A_52 = arith.constant 0 : i32
      %dma_start3A_53 = tpu.memref_slice %arg5[%dma_start3A_48, %dma_start3A_52] : memref<8x128xi32, #tpu.memory_space<vmem>> -> memref<1x128xi32, #tpu.memory_space<vmem>>
      %dma_start3A_54 = tpu.memref_squeeze %dma_start3A_53 : memref<1x128xi32, #tpu.memory_space<vmem>> -> memref<128xi32, #tpu.memory_space<vmem>>
      %dma_start3A_55 = arith.constant 0 : i32
      %dma_start3A_56 = arith.constant 0 : i32
      %dma_start3A_57 = tpu.memref_slice %arg2[%dma_start3A_55, %dma_start3A_56] : memref<2662400x32xf32, #tpu.memory_space<hbm>> -> memref<2662400x32xf32, #tpu.memory_space<hbm>>
      tpu.enqueue_indirect_dma source(%dma_start3A_57 : memref<2662400x32xf32, #tpu.memory_space<hbm>>) target(%dma_start3A_51 : memref<128x32xf32, #tpu.memory_space<vmem>>) offsets(%dma_start3A_54 : memref<128xi32, #tpu.memory_space<vmem>>) semaphore(%arg7 : memref<!tpu.dma_semaphore, #tpu.memory_space<semaphore_mem>>)
      %dma_start3A_58 = arith.constant 3 : i32
      %dma_start3A_59 = arith.constant 384 : i32
      %dma_start3A_60 = arith.constant 0 : i32
      %dma_start3A_61 = tpu.memref_slice %arg6[%dma_start3A_59, %dma_start3A_60] : memref<1024x32xf32, #tpu.memory_space<vmem>> -> memref<128x32xf32, #tpu.memory_space<vmem>>
      %dma_start3A_62 = arith.constant 0 : i32
      %dma_start3A_63 = tpu.memref_slice %arg5[%dma_start3A_58, %dma_start3A_62] : memref<8x128xi32, #tpu.memory_space<vmem>> -> memref<1x128xi32, #tpu.memory_space<vmem>>
      %dma_start3A_64 = tpu.memref_squeeze %dma_start3A_63 : memref<1x128xi32, #tpu.memory_space<vmem>> -> memref<128xi32, #tpu.memory_space<vmem>>
      %dma_start3A_65 = arith.constant 0 : i32
      %dma_start3A_66 = arith.constant 0 : i32
      %dma_start3A_67 = tpu.memref_slice %arg2[%dma_start3A_65, %dma_start3A_66] : memref<2662400x32xf32, #tpu.memory_space<hbm>> -> memref<2662400x32xf32, #tpu.memory_space<hbm>>
      tpu.enqueue_indirect_dma source(%dma_start3A_67 : memref<2662400x32xf32, #tpu.memory_space<hbm>>) target(%dma_start3A_61 : memref<128x32xf32, #tpu.memory_space<vmem>>) offsets(%dma_start3A_64 : memref<128xi32, #tpu.memory_space<vmem>>) semaphore(%arg7 : memref<!tpu.dma_semaphore, #tpu.memory_space<semaphore_mem>>)
      %dma_start3A_68 = arith.constant 4 : i32
      %dma_start3A_69 = arith.constant 512 : i32
      %dma_start3A_70 = arith.constant 0 : i32
      %dma_start3A_71 = tpu.memref_slice %arg6[%dma_start3A_69, %dma_start3A_70] : memref<1024x32xf32, #tpu.memory_space<vmem>> -> memref<128x32xf32, #tpu.memory_space<vmem>>
      %dma_start3A_72 = arith.constant 0 : i32
      %dma_start3A_73 = tpu.memref_slice %arg5[%dma_start3A_68, %dma_start3A_72] : memref<8x128xi32, #tpu.memory_space<vmem>> -> memref<1x128xi32, #tpu.memory_space<vmem>>
      %dma_start3A_74 = tpu.memref_squeeze %dma_start3A_73 : memref<1x128xi32, #tpu.memory_space<vmem>> -> memref<128xi32, #tpu.memory_space<vmem>>
      %dma_start3A_75 = arith.constant 0 : i32
      %dma_start3A_76 = arith.constant 0 : i32
      %dma_start3A_77 = tpu.memref_slice %arg2[%dma_start3A_75, %dma_start3A_76] : memref<2662400x32xf32, #tpu.memory_space<hbm>> -> memref<2662400x32xf32, #tpu.memory_space<hbm>>
      tpu.enqueue_indirect_dma source(%dma_start3A_77 : memref<2662400x32xf32, #tpu.memory_space<hbm>>) target(%dma_start3A_71 : memref<128x32xf32, #tpu.memory_space<vmem>>) offsets(%dma_start3A_74 : memref<128xi32, #tpu.memory_space<vmem>>) semaphore(%arg7 : memref<!tpu.dma_semaphore, #tpu.memory_space<semaphore_mem>>)
      %dma_start3A_78 = arith.constant 5 : i32
      %dma_start3A_79 = arith.constant 640 : i32
      %dma_start3A_80 = arith.constant 0 : i32
      %dma_start3A_81 = tpu.memref_slice %arg6[%dma_start3A_79, %dma_start3A_80] : memref<1024x32xf32, #tpu.memory_space<vmem>> -> memref<128x32xf32, #tpu.memory_space<vmem>>
      %dma_start3A_82 = arith.constant 0 : i32
      %dma_start3A_83 = tpu.memref_slice %arg5[%dma_start3A_78, %dma_start3A_82] : memref<8x128xi32, #tpu.memory_space<vmem>> -> memref<1x128xi32, #tpu.memory_space<vmem>>
      %dma_start3A_84 = tpu.memref_squeeze %dma_start3A_83 : memref<1x128xi32, #tpu.memory_space<vmem>> -> memref<128xi32, #tpu.memory_space<vmem>>
      %dma_start3A_85 = arith.constant 0 : i32
      %dma_start3A_86 = arith.constant 0 : i32
      %dma_start3A_87 = tpu.memref_slice %arg2[%dma_start3A_85, %dma_start3A_86] : memref<2662400x32xf32, #tpu.memory_space<hbm>> -> memref<2662400x32xf32, #tpu.memory_space<hbm>>
      tpu.enqueue_indirect_dma source(%dma_start3A_87 : memref<2662400x32xf32, #tpu.memory_space<hbm>>) target(%dma_start3A_81 : memref<128x32xf32, #tpu.memory_space<vmem>>) offsets(%dma_start3A_84 : memref<128xi32, #tpu.memory_space<vmem>>) semaphore(%arg7 : memref<!tpu.dma_semaphore, #tpu.memory_space<semaphore_mem>>)
      %dma_start3A_88 = arith.constant 6 : i32
      %dma_start3A_89 = arith.constant 768 : i32
      %dma_start3A_90 = arith.constant 0 : i32
      %dma_start3A_91 = tpu.memref_slice %arg6[%dma_start3A_89, %dma_start3A_90] : memref<1024x32xf32, #tpu.memory_space<vmem>> -> memref<128x32xf32, #tpu.memory_space<vmem>>
      %dma_start3A_92 = arith.constant 0 : i32
      %dma_start3A_93 = tpu.memref_slice %arg5[%dma_start3A_88, %dma_start3A_92] : memref<8x128xi32, #tpu.memory_space<vmem>> -> memref<1x128xi32, #tpu.memory_space<vmem>>
      %dma_start3A_94 = tpu.memref_squeeze %dma_start3A_93 : memref<1x128xi32, #tpu.memory_space<vmem>> -> memref<128xi32, #tpu.memory_space<vmem>>
      %dma_start3A_95 = arith.constant 0 : i32
      %dma_start3A_96 = arith.constant 0 : i32
      %dma_start3A_97 = tpu.memref_slice %arg2[%dma_start3A_95, %dma_start3A_96] : memref<2662400x32xf32, #tpu.memory_space<hbm>> -> memref<2662400x32xf32, #tpu.memory_space<hbm>>
      tpu.enqueue_indirect_dma source(%dma_start3A_97 : memref<2662400x32xf32, #tpu.memory_space<hbm>>) target(%dma_start3A_91 : memref<128x32xf32, #tpu.memory_space<vmem>>) offsets(%dma_start3A_94 : memref<128xi32, #tpu.memory_space<vmem>>) semaphore(%arg7 : memref<!tpu.dma_semaphore, #tpu.memory_space<semaphore_mem>>)
      %dma_start3A_98 = arith.constant 7 : i32
      %dma_start3A_99 = arith.constant 896 : i32
      %dma_start3A_100 = arith.constant 0 : i32
      %dma_start3A_101 = tpu.memref_slice %arg6[%dma_start3A_99, %dma_start3A_100] : memref<1024x32xf32, #tpu.memory_space<vmem>> -> memref<128x32xf32, #tpu.memory_space<vmem>>
      %dma_start3A_102 = arith.constant 0 : i32
      %dma_start3A_103 = tpu.memref_slice %arg5[%dma_start3A_98, %dma_start3A_102] : memref<8x128xi32, #tpu.memory_space<vmem>> -> memref<1x128xi32, #tpu.memory_space<vmem>>
      %dma_start3A_104 = tpu.memref_squeeze %dma_start3A_103 : memref<1x128xi32, #tpu.memory_space<vmem>> -> memref<128xi32, #tpu.memory_space<vmem>>
      %dma_start3A_105 = arith.constant 0 : i32
      %dma_start3A_106 = arith.constant 0 : i32
      %dma_start3A_107 = tpu.memref_slice %arg2[%dma_start3A_105, %dma_start3A_106] : memref<2662400x32xf32, #tpu.memory_space<hbm>> -> memref<2662400x32xf32, #tpu.memory_space<hbm>>
      tpu.enqueue_indirect_dma source(%dma_start3A_107 : memref<2662400x32xf32, #tpu.memory_space<hbm>>) target(%dma_start3A_101 : memref<128x32xf32, #tpu.memory_space<vmem>>) offsets(%dma_start3A_104 : memref<128xi32, #tpu.memory_space<vmem>>) semaphore(%arg7 : memref<!tpu.dma_semaphore, #tpu.memory_space<semaphore_mem>>)
      %dma_wait3A = arith.constant 0 : i32
      %dma_wait3A_108 = arith.constant 0 : i32
      %dma_wait3A_109 = arith.constant 0 : i32
      %dma_wait3A_110 = tpu.memref_slice %arg6[%dma_wait3A_108, %dma_wait3A_109] : memref<1024x32xf32, #tpu.memory_space<vmem>> -> memref<128x32xf32, #tpu.memory_space<vmem>>
      %dma_wait3A_111 = arith.constant 0 : i32
      %dma_wait3A_112 = tpu.memref_slice %arg5[%dma_wait3A, %dma_wait3A_111] : memref<8x128xi32, #tpu.memory_space<vmem>> -> memref<1x128xi32, #tpu.memory_space<vmem>>
      %dma_wait3A_113 = tpu.memref_squeeze %dma_wait3A_112 : memref<1x128xi32, #tpu.memory_space<vmem>> -> memref<128xi32, #tpu.memory_space<vmem>>
      %dma_wait3A_114 = arith.constant 0 : i32
      %dma_wait3A_115 = arith.constant 0 : i32
      %dma_wait3A_116 = tpu.memref_slice %arg2[%dma_wait3A_114, %dma_wait3A_115] : memref<2662400x32xf32, #tpu.memory_space<hbm>> -> memref<2662400x32xf32, #tpu.memory_space<hbm>>
      tpu.wait_indirect_dma semaphore(%arg7 : memref<!tpu.dma_semaphore, #tpu.memory_space<semaphore_mem>>) src(%dma_wait3A_116 : memref<2662400x32xf32, #tpu.memory_space<hbm>>) dst(%dma_wait3A_110 : memref<128x32xf32, #tpu.memory_space<vmem>>)
      %dma_wait3A_117 = arith.constant 1 : i32
      %dma_wait3A_118 = arith.constant 128 : i32
      %dma_wait3A_119 = arith.constant 0 : i32
      %dma_wait3A_120 = tpu.memref_slice %arg6[%dma_wait3A_118, %dma_wait3A_119] : memref<1024x32xf32, #tpu.memory_space<vmem>> -> memref<128x32xf32, #tpu.memory_space<vmem>>
      %dma_wait3A_121 = arith.constant 0 : i32
      %dma_wait3A_122 = tpu.memref_slice %arg5[%dma_wait3A_117, %dma_wait3A_121] : memref<8x128xi32, #tpu.memory_space<vmem>> -> memref<1x128xi32, #tpu.memory_space<vmem>>
      %dma_wait3A_123 = tpu.memref_squeeze %dma_wait3A_122 : memref<1x128xi32, #tpu.memory_space<vmem>> -> memref<128xi32, #tpu.memory_space<vmem>>
      %dma_wait3A_124 = arith.constant 0 : i32
      %dma_wait3A_125 = arith.constant 0 : i32
      %dma_wait3A_126 = tpu.memref_slice %arg2[%dma_wait3A_124, %dma_wait3A_125] : memref<2662400x32xf32, #tpu.memory_space<hbm>> -> memref<2662400x32xf32, #tpu.memory_space<hbm>>
      tpu.wait_indirect_dma semaphore(%arg7 : memref<!tpu.dma_semaphore, #tpu.memory_space<semaphore_mem>>) src(%dma_wait3A_126 : memref<2662400x32xf32, #tpu.memory_space<hbm>>) dst(%dma_wait3A_120 : memref<128x32xf32, #tpu.memory_space<vmem>>)
      %dma_wait3A_127 = arith.constant 2 : i32
      %dma_wait3A_128 = arith.constant 256 : i32
      %dma_wait3A_129 = arith.constant 0 : i32
      %dma_wait3A_130 = tpu.memref_slice %arg6[%dma_wait3A_128, %dma_wait3A_129] : memref<1024x32xf32, #tpu.memory_space<vmem>> -> memref<128x32xf32, #tpu.memory_space<vmem>>
      %dma_wait3A_131 = arith.constant 0 : i32
      %dma_wait3A_132 = tpu.memref_slice %arg5[%dma_wait3A_127, %dma_wait3A_131] : memref<8x128xi32, #tpu.memory_space<vmem>> -> memref<1x128xi32, #tpu.memory_space<vmem>>
      %dma_wait3A_133 = tpu.memref_squeeze %dma_wait3A_132 : memref<1x128xi32, #tpu.memory_space<vmem>> -> memref<128xi32, #tpu.memory_space<vmem>>
      %dma_wait3A_134 = arith.constant 0 : i32
      %dma_wait3A_135 = arith.constant 0 : i32
      %dma_wait3A_136 = tpu.memref_slice %arg2[%dma_wait3A_134, %dma_wait3A_135] : memref<2662400x32xf32, #tpu.memory_space<hbm>> -> memref<2662400x32xf32, #tpu.memory_space<hbm>>
      tpu.wait_indirect_dma semaphore(%arg7 : memref<!tpu.dma_semaphore, #tpu.memory_space<semaphore_mem>>) src(%dma_wait3A_136 : memref<2662400x32xf32, #tpu.memory_space<hbm>>) dst(%dma_wait3A_130 : memref<128x32xf32, #tpu.memory_space<vmem>>)
      %dma_wait3A_137 = arith.constant 3 : i32
      %dma_wait3A_138 = arith.constant 384 : i32
      %dma_wait3A_139 = arith.constant 0 : i32
      %dma_wait3A_140 = tpu.memref_slice %arg6[%dma_wait3A_138, %dma_wait3A_139] : memref<1024x32xf32, #tpu.memory_space<vmem>> -> memref<128x32xf32, #tpu.memory_space<vmem>>
      %dma_wait3A_141 = arith.constant 0 : i32
      %dma_wait3A_142 = tpu.memref_slice %arg5[%dma_wait3A_137, %dma_wait3A_141] : memref<8x128xi32, #tpu.memory_space<vmem>> -> memref<1x128xi32, #tpu.memory_space<vmem>>
      %dma_wait3A_143 = tpu.memref_squeeze %dma_wait3A_142 : memref<1x128xi32, #tpu.memory_space<vmem>> -> memref<128xi32, #tpu.memory_space<vmem>>
      %dma_wait3A_144 = arith.constant 0 : i32
      %dma_wait3A_145 = arith.constant 0 : i32
      %dma_wait3A_146 = tpu.memref_slice %arg2[%dma_wait3A_144, %dma_wait3A_145] : memref<2662400x32xf32, #tpu.memory_space<hbm>> -> memref<2662400x32xf32, #tpu.memory_space<hbm>>
      tpu.wait_indirect_dma semaphore(%arg7 : memref<!tpu.dma_semaphore, #tpu.memory_space<semaphore_mem>>) src(%dma_wait3A_146 : memref<2662400x32xf32, #tpu.memory_space<hbm>>) dst(%dma_wait3A_140 : memref<128x32xf32, #tpu.memory_space<vmem>>)
      %dma_wait3A_147 = arith.constant 4 : i32
      %dma_wait3A_148 = arith.constant 512 : i32
      %dma_wait3A_149 = arith.constant 0 : i32
      %dma_wait3A_150 = tpu.memref_slice %arg6[%dma_wait3A_148, %dma_wait3A_149] : memref<1024x32xf32, #tpu.memory_space<vmem>> -> memref<128x32xf32, #tpu.memory_space<vmem>>
      %dma_wait3A_151 = arith.constant 0 : i32
      %dma_wait3A_152 = tpu.memref_slice %arg5[%dma_wait3A_147, %dma_wait3A_151] : memref<8x128xi32, #tpu.memory_space<vmem>> -> memref<1x128xi32, #tpu.memory_space<vmem>>
      %dma_wait3A_153 = tpu.memref_squeeze %dma_wait3A_152 : memref<1x128xi32, #tpu.memory_space<vmem>> -> memref<128xi32, #tpu.memory_space<vmem>>
      %dma_wait3A_154 = arith.constant 0 : i32
      %dma_wait3A_155 = arith.constant 0 : i32
      %dma_wait3A_156 = tpu.memref_slice %arg2[%dma_wait3A_154, %dma_wait3A_155] : memref<2662400x32xf32, #tpu.memory_space<hbm>> -> memref<2662400x32xf32, #tpu.memory_space<hbm>>
      tpu.wait_indirect_dma semaphore(%arg7 : memref<!tpu.dma_semaphore, #tpu.memory_space<semaphore_mem>>) src(%dma_wait3A_156 : memref<2662400x32xf32, #tpu.memory_space<hbm>>) dst(%dma_wait3A_150 : memref<128x32xf32, #tpu.memory_space<vmem>>)
      %dma_wait3A_157 = arith.constant 5 : i32
      %dma_wait3A_158 = arith.constant 640 : i32
      %dma_wait3A_159 = arith.constant 0 : i32
      %dma_wait3A_160 = tpu.memref_slice %arg6[%dma_wait3A_158, %dma_wait3A_159] : memref<1024x32xf32, #tpu.memory_space<vmem>> -> memref<128x32xf32, #tpu.memory_space<vmem>>
      %dma_wait3A_161 = arith.constant 0 : i32
      %dma_wait3A_162 = tpu.memref_slice %arg5[%dma_wait3A_157, %dma_wait3A_161] : memref<8x128xi32, #tpu.memory_space<vmem>> -> memref<1x128xi32, #tpu.memory_space<vmem>>
      %dma_wait3A_163 = tpu.memref_squeeze %dma_wait3A_162 : memref<1x128xi32, #tpu.memory_space<vmem>> -> memref<128xi32, #tpu.memory_space<vmem>>
      %dma_wait3A_164 = arith.constant 0 : i32
      %dma_wait3A_165 = arith.constant 0 : i32
      %dma_wait3A_166 = tpu.memref_slice %arg2[%dma_wait3A_164, %dma_wait3A_165] : memref<2662400x32xf32, #tpu.memory_space<hbm>> -> memref<2662400x32xf32, #tpu.memory_space<hbm>>
      tpu.wait_indirect_dma semaphore(%arg7 : memref<!tpu.dma_semaphore, #tpu.memory_space<semaphore_mem>>) src(%dma_wait3A_166 : memref<2662400x32xf32, #tpu.memory_space<hbm>>) dst(%dma_wait3A_160 : memref<128x32xf32, #tpu.memory_space<vmem>>)
      %dma_wait3A_167 = arith.constant 6 : i32
      %dma_wait3A_168 = arith.constant 768 : i32
      %dma_wait3A_169 = arith.constant 0 : i32
      %dma_wait3A_170 = tpu.memref_slice %arg6[%dma_wait3A_168, %dma_wait3A_169] : memref<1024x32xf32, #tpu.memory_space<vmem>> -> memref<128x32xf32, #tpu.memory_space<vmem>>
      %dma_wait3A_171 = arith.constant 0 : i32
      %dma_wait3A_172 = tpu.memref_slice %arg5[%dma_wait3A_167, %dma_wait3A_171] : memref<8x128xi32, #tpu.memory_space<vmem>> -> memref<1x128xi32, #tpu.memory_space<vmem>>
      %dma_wait3A_173 = tpu.memref_squeeze %dma_wait3A_172 : memref<1x128xi32, #tpu.memory_space<vmem>> -> memref<128xi32, #tpu.memory_space<vmem>>
      %dma_wait3A_174 = arith.constant 0 : i32
      %dma_wait3A_175 = arith.constant 0 : i32
      %dma_wait3A_176 = tpu.memref_slice %arg2[%dma_wait3A_174, %dma_wait3A_175] : memref<2662400x32xf32, #tpu.memory_space<hbm>> -> memref<2662400x32xf32, #tpu.memory_space<hbm>>
      tpu.wait_indirect_dma semaphore(%arg7 : memref<!tpu.dma_semaphore, #tpu.memory_space<semaphore_mem>>) src(%dma_wait3A_176 : memref<2662400x32xf32, #tpu.memory_space<hbm>>) dst(%dma_wait3A_170 : memref<128x32xf32, #tpu.memory_space<vmem>>)
      %dma_wait3A_177 = arith.constant 7 : i32
      %dma_wait3A_178 = arith.constant 896 : i32
      %dma_wait3A_179 = arith.constant 0 : i32
      %dma_wait3A_180 = tpu.memref_slice %arg6[%dma_wait3A_178, %dma_wait3A_179] : memref<1024x32xf32, #tpu.memory_space<vmem>> -> memref<128x32xf32, #tpu.memory_space<vmem>>
      %dma_wait3A_181 = arith.constant 0 : i32
      %dma_wait3A_182 = tpu.memref_slice %arg5[%dma_wait3A_177, %dma_wait3A_181] : memref<8x128xi32, #tpu.memory_space<vmem>> -> memref<1x128xi32, #tpu.memory_space<vmem>>
      %dma_wait3A_183 = tpu.memref_squeeze %dma_wait3A_182 : memref<1x128xi32, #tpu.memory_space<vmem>> -> memref<128xi32, #tpu.memory_space<vmem>>
      %dma_wait3A_184 = arith.constant 0 : i32
      %dma_wait3A_185 = arith.constant 0 : i32
      %dma_wait3A_186 = tpu.memref_slice %arg2[%dma_wait3A_184, %dma_wait3A_185] : memref<2662400x32xf32, #tpu.memory_space<hbm>> -> memref<2662400x32xf32, #tpu.memory_space<hbm>>
      tpu.wait_indirect_dma semaphore(%arg7 : memref<!tpu.dma_semaphore, #tpu.memory_space<semaphore_mem>>) src(%dma_wait3A_186 : memref<2662400x32xf32, #tpu.memory_space<hbm>>) dst(%dma_wait3A_180 : memref<128x32xf32, #tpu.memory_space<vmem>>)
      "tpu.region"() ({
        %run_scoped3A = tpu.sem_alloc : memref<!tpu.dma_semaphore, #tpu.memory_space<semaphore_mem>>
        %dma_start3A_187 = arith.constant 0 : i32
        %dma_start3A_188 = tpu.memref_slice %arg4[%multiple_of3A, %dma_start3A_187] : memref<458752x32xf32, #tpu.memory_space<hbm>> -> memref<1024x32xf32, #tpu.memory_space<hbm>>
        %dma_start3A_189 = arith.constant 0 : i32
        %dma_start3A_190 = tpu.memref_slice %arg4[%multiple_of3A, %dma_start3A_189] : memref<458752x32xf32, #tpu.memory_space<hbm>> -> memref<1024x32xf32, #tpu.memory_space<hbm>>
        tpu.enqueue_dma source(%arg6 : memref<1024x32xf32, #tpu.memory_space<vmem>>) target(%dma_start3A_190 : memref<1024x32xf32, #tpu.memory_space<hbm>>) target_semaphore(%run_scoped3A : memref<!tpu.dma_semaphore, #tpu.memory_space<semaphore_mem>>)
        %dma_wait3A_191 = arith.constant 0 : i32
        %dma_wait3A_192 = tpu.memref_slice %arg4[%multiple_of3A, %dma_wait3A_191] : memref<458752x32xf32, #tpu.memory_space<hbm>> -> memref<1024x32xf32, #tpu.memory_space<hbm>>
        %dma_wait3A_193 = arith.constant 0 : i32
        %dma_wait3A_194 = tpu.memref_slice %arg4[%multiple_of3A, %dma_wait3A_193] : memref<458752x32xf32, #tpu.memory_space<hbm>> -> memref<1024x32xf32, #tpu.memory_space<hbm>>
        tpu.wait_dma2 semaphore(%run_scoped3A : memref<!tpu.dma_semaphore, #tpu.memory_space<semaphore_mem>>) src(%arg6 : memref<1024x32xf32, #tpu.memory_space<vmem>>) dst(%dma_wait3A_194 : memref<1024x32xf32, #tpu.memory_space<hbm>>)
        tpu.yield
      }) : () -> ()
    }
    %scan3A_7 = arith.constant 14 : i32
    return
  }
}

module attributes {stable_mosaic.version = 14 : i64} {
  func.func @body(%arg0: i32, %arg1: i32, %arg2: memref<1x32x4096xf32, #tpu.memory_space<vmem>>, %arg3: memref<128x128xf32, #tpu.memory_space<vmem>>, %arg4: memref<1x1024x128xf32, #tpu.memory_space<vmem>>) attributes {dimension_semantics = [#tpu.dimension_semantics<parallel>, #tpu.dimension_semantics<parallel>], iteration_bounds = array<i64: 26, 25>, scalar_prefetch = 0 : i64, scratch_operands = 0 : i64, tpu.core_type = #tpu.core_type<tc>, window_params = [{transform_indices = @transform_0, window_bounds = array<i64: 1, 32, 4096>}, {pipeline_mode = #tpu.pipeline_mode<synchronous>, transform_indices = @transform_1, window_bounds = array<i64: 128, 128>}, {transform_indices = @transform_2, window_bounds = array<i64: 1, 1024, 128>}]} {
    %get3A = arith.constant 0 : index
    %get3A_0 = arith.constant 0 : index
    %get3A_1 = arith.constant 0 : index
    %get3A_2 = vector.load %arg2[%get3A, %get3A_0, %get3A_1] : memref<1x32x4096xf32, #tpu.memory_space<vmem>>, vector<1x32x1024xf32>
    %get3A_3 = vector.shape_cast %get3A_2 : vector<1x32x1024xf32> to vector<32x1024xf32>
    %get3A_4 = arith.constant 0 : index
    %get3A_5 = arith.constant 0 : index
    %get3A_6 = vector.load %arg3[%get3A_4, %get3A_5] : memref<128x128xf32, #tpu.memory_space<vmem>>, vector<32x128xf32>
    %dot_general3A = arith.constant dense<0.000000e+00> : vector<1024x128xf32>
    %dot_general3A_7 = tpu.matmul %get3A_3, %get3A_6, %dot_general3A {dimension_numbers = #tpu.dot_dimension_numbers<[0], [0], [1], [1], [0, 1, 1, 1], [], []>, transpose_lhs_hint = false} : vector<32x1024xf32>, vector<32x128xf32>, vector<1024x128xf32> -> vector<1024x128xf32>
    %get3A_8 = arith.constant 0 : index
    %get3A_9 = arith.constant 0 : index
    %get3A_10 = arith.constant 1024 : index
    %get3A_11 = vector.load %arg2[%get3A_8, %get3A_9, %get3A_10] : memref<1x32x4096xf32, #tpu.memory_space<vmem>>, vector<1x32x1024xf32>
    %get3A_12 = vector.shape_cast %get3A_11 : vector<1x32x1024xf32> to vector<32x1024xf32>
    %get3A_13 = arith.constant 32 : index
    %get3A_14 = arith.constant 0 : index
    %get3A_15 = vector.load %arg3[%get3A_13, %get3A_14] : memref<128x128xf32, #tpu.memory_space<vmem>>, vector<32x128xf32>
    %dot_general3A_16 = arith.constant dense<0.000000e+00> : vector<1024x128xf32>
    %dot_general3A_17 = tpu.matmul %get3A_12, %get3A_15, %dot_general3A_16 {dimension_numbers = #tpu.dot_dimension_numbers<[0], [0], [1], [1], [0, 1, 1, 1], [], []>, transpose_lhs_hint = false} : vector<32x1024xf32>, vector<32x128xf32>, vector<1024x128xf32> -> vector<1024x128xf32>
    %add3A = arith.addf %dot_general3A_7, %dot_general3A_17 : vector<1024x128xf32>
    %get3A_18 = arith.constant 0 : index
    %get3A_19 = arith.constant 0 : index
    %get3A_20 = arith.constant 2048 : index
    %get3A_21 = vector.load %arg2[%get3A_18, %get3A_19, %get3A_20] : memref<1x32x4096xf32, #tpu.memory_space<vmem>>, vector<1x32x1024xf32>
    %get3A_22 = vector.shape_cast %get3A_21 : vector<1x32x1024xf32> to vector<32x1024xf32>
    %get3A_23 = arith.constant 64 : index
    %get3A_24 = arith.constant 0 : index
    %get3A_25 = vector.load %arg3[%get3A_23, %get3A_24] : memref<128x128xf32, #tpu.memory_space<vmem>>, vector<32x128xf32>
    %dot_general3A_26 = arith.constant dense<0.000000e+00> : vector<1024x128xf32>
    %dot_general3A_27 = tpu.matmul %get3A_22, %get3A_25, %dot_general3A_26 {dimension_numbers = #tpu.dot_dimension_numbers<[0], [0], [1], [1], [0, 1, 1, 1], [], []>, transpose_lhs_hint = false} : vector<32x1024xf32>, vector<32x128xf32>, vector<1024x128xf32> -> vector<1024x128xf32>
    %add3A_28 = arith.addf %add3A, %dot_general3A_27 : vector<1024x128xf32>
    %get3A_29 = arith.constant 0 : index
    %get3A_30 = arith.constant 0 : index
    %get3A_31 = arith.constant 3072 : index
    %get3A_32 = vector.load %arg2[%get3A_29, %get3A_30, %get3A_31] : memref<1x32x4096xf32, #tpu.memory_space<vmem>>, vector<1x32x1024xf32>
    %get3A_33 = vector.shape_cast %get3A_32 : vector<1x32x1024xf32> to vector<32x1024xf32>
    %get3A_34 = arith.constant 96 : index
    %get3A_35 = arith.constant 0 : index
    %get3A_36 = vector.load %arg3[%get3A_34, %get3A_35] : memref<128x128xf32, #tpu.memory_space<vmem>>, vector<32x128xf32>
    %dot_general3A_37 = arith.constant dense<0.000000e+00> : vector<1024x128xf32>
    %dot_general3A_38 = tpu.matmul %get3A_33, %get3A_36, %dot_general3A_37 {dimension_numbers = #tpu.dot_dimension_numbers<[0], [0], [1], [1], [0, 1, 1, 1], [], []>, transpose_lhs_hint = false} : vector<32x1024xf32>, vector<32x128xf32>, vector<1024x128xf32> -> vector<1024x128xf32>
    %add3A_39 = arith.addf %add3A_28, %dot_general3A_38 : vector<1024x128xf32>
    %swap3A = arith.constant 0 : index
    %swap3A_40 = arith.constant 0 : index
    %swap3A_41 = arith.constant 0 : index
    %swap3A_42 = vector.load %arg4[%swap3A, %swap3A_40, %swap3A_41] : memref<1x1024x128xf32, #tpu.memory_space<vmem>>, vector<1x1024x128xf32>
    %swap3A_43 = vector.shape_cast %swap3A_42 : vector<1x1024x128xf32> to vector<1024x128xf32>
    %swap3A_44 = vector.shape_cast %add3A_39 : vector<1024x128xf32> to vector<1x1024x128xf32>
    tpu.vector_store %arg4[%swap3A, %swap3A_40, %swap3A_41], %swap3A_44 {strides = array<i32>} : memref<1x1024x128xf32, #tpu.memory_space<vmem>>, vector<1x1024x128xf32>,
    return
  }
  func.func @transform_0(%arg0: i32, %arg1: i32) -> (i32, i32, i32) {
    %c0_i32 = arith.constant 0 : i32
    %c0_i32_0 = arith.constant 0 : i32
    return %arg0, %c0_i32, %arg1 : i32, i32, i32
  }
  func.func @transform_1(%arg0: i32, %arg1: i32) -> (i32, i32) {
    %c0_i32 = arith.constant 0 : i32
    %c0_i32_0 = arith.constant 0 : i32
    %c0_i32_1 = arith.constant 0 : i32
    return %c0_i32, %c0_i32_0 : i32, i32
  }
  func.func @transform_2(%arg0: i32, %arg1: i32) -> (i32, i32, i32) {
    %c0_i32 = arith.constant 0 : i32
    %c0_i32_0 = arith.constant 0 : i32
    return %arg0, %arg1, %c0_i32 : i32, i32, i32
  }
}

module attributes {stable_mosaic.version = 14 : i64} {
  func.func @body(%arg0: i32, %arg1: i32, %arg2: memref<1024x13xf32, #tpu.memory_space<vmem>>, %arg3: memref<13x416xf32, #tpu.memory_space<vmem>>, %arg4: memref<1x416xf32, #tpu.memory_space<vmem>>, %arg5: memref<1024x896xf32, #tpu.memory_space<vmem>>, %arg6: memref<1x416xf32, #tpu.memory_space<vmem>>, %arg7: memref<1x416xf32, #tpu.memory_space<vmem>>, %arg8: memref<1x832xf32, #tpu.memory_space<vmem>>, %arg9: memref<1x832xf32, #tpu.memory_space<vmem>>, %arg10: memref<1024x1248xf32, #tpu.memory_space<vmem>>, %arg11: memref<4x416xf32, #tpu.memory_space<vmem>>, %arg12: memref<4x832xf32, #tpu.memory_space<vmem>>) attributes {dimension_semantics = [#tpu.dimension_semantics<arbitrary>, #tpu.dimension_semantics<arbitrary>], iteration_bounds = array<i64: 2, 16>, scalar_prefetch = 0 : i64, scratch_operands = 2 : i64, tpu.core_type = #tpu.core_type<tc>, window_params = [{transform_indices = @transform_0, window_bounds = array<i64: 1024, 13>}, {pipeline_mode = #tpu.pipeline_mode<synchronous>, transform_indices = @transform_1, window_bounds = array<i64: 13, 416>}, {pipeline_mode = #tpu.pipeline_mode<synchronous>, transform_indices = @transform_2, window_bounds = array<i64: 1, 416>}, {transform_indices = @transform_3, window_bounds = array<i64: 1024, 896>}, {pipeline_mode = #tpu.pipeline_mode<synchronous>, transform_indices = @transform_4, window_bounds = array<i64: 1, 416>}, {pipeline_mode = #tpu.pipeline_mode<synchronous>, transform_indices = @transform_5, window_bounds = array<i64: 1, 416>}, {pipeline_mode = #tpu.pipeline_mode<synchronous>, transform_indices = @transform_6, window_bounds = array<i64: 1, 832>}, {pipeline_mode = #tpu.pipeline_mode<synchronous>, transform_indices = @transform_7, window_bounds = array<i64: 1, 832>}, {transform_indices = @transform_8, window_bounds = array<i64: 1024, 1248>}]} {
    %get3A = arith.constant 0 : index
    %get3A_0 = arith.constant 0 : index
    %get3A_1 = vector.load %arg2[%get3A, %get3A_0] : memref<1024x13xf32, #tpu.memory_space<vmem>>, vector<1024x13xf32>
    %get3A_2 = arith.constant 0 : index
    %get3A_3 = arith.constant 0 : index
    %get3A_4 = vector.load %arg3[%get3A_2, %get3A_3] : memref<13x416xf32, #tpu.memory_space<vmem>>, vector<13x416xf32>
    %dot_general3A = arith.constant dense<0.000000e+00> : vector<1024x416xf32>
    %dot_general3A_5 = tpu.matmul %get3A_1, %get3A_4, %dot_general3A {dimension_numbers = #tpu.dot_dimension_numbers<[1], [0], [0], [1], [0, 0, 1, 1], [], []>, transpose_lhs_hint = false} : vector<1024x13xf32>, vector<13x416xf32>, vector<1024x416xf32> -> vector<1024x416xf32>
    %get3A_6 = arith.constant 0 : index
    %get3A_7 = arith.constant 0 : index
    %get3A_8 = vector.load %arg4[%get3A_6, %get3A_7] : memref<1x416xf32, #tpu.memory_space<vmem>>, vector<1x416xf32>
    %add3A = vector.broadcast %get3A_8 : vector<1x416xf32> to vector<1024x416xf32>
    %add3A_9 = arith.addf %dot_general3A_5, %add3A : vector<1024x416xf32>
    %max3A = arith.constant 0.000000e+00 : f32
    %max3A_10 = vector.broadcast %max3A : f32 to vector<1024x416xf32>
    %max3A_11 = arith.maximumf %add3A_9, %max3A_10 : vector<1024x416xf32>
    %get3A_12 = arith.constant 0 : index
    %get3A_13 = arith.constant 0 : index
    %get3A_14 = vector.load %arg5[%get3A_12, %get3A_13] : memref<1024x896xf32, #tpu.memory_space<vmem>>, vector<1024x896xf32>
    %slice3A = vector.extract_strided_slice %get3A_14 {offsets = [0, 0], sizes = [1024, 832], strides = [1, 1]} : vector<1024x896xf32> to vector<1024x832xf32>
    %eq3A = arith.constant 0 : i32
    %eq3A_15 = arith.cmpi eq, %arg0, %eq3A : i32
    %eq3A_16 = arith.constant 0 : i32
    %eq3A_17 = arith.cmpi eq, %arg1, %eq3A_16 : i32
    %and3A = arith.andi %eq3A_15, %eq3A_17 : i1
    %convert_element_type3A = arith.extui %and3A : i1 to i32
    %cond3A = arith.constant 0 : i32
    %cond3A_18 = arith.cmpi ne, %convert_element_type3A, %cond3A : i32
    scf.if %cond3A_18 {
      %broadcast_in_dim3A = arith.constant 0.000000e+00 : f32
      %broadcast_in_dim3A_37 = vector.broadcast %broadcast_in_dim3A : f32 to vector<4x416xf32>
      %swap3A = arith.constant 0 : index
      %swap3A_38 = arith.constant 0 : index
      %swap3A_39 = vector.load %arg11[%swap3A, %swap3A_38] : memref<4x416xf32, #tpu.memory_space<vmem>>, vector<4x416xf32>
      tpu.vector_store %arg11[%swap3A, %swap3A_38], %broadcast_in_dim3A_37 {strides = array<i32>} : memref<4x416xf32, #tpu.memory_space<vmem>>, vector<4x416xf32>,
      %broadcast_in_dim3A_40 = arith.constant 0.000000e+00 : f32
      %broadcast_in_dim3A_41 = vector.broadcast %broadcast_in_dim3A_40 : f32 to vector<4x832xf32>
      %swap3A_42 = arith.constant 0 : index
      %swap3A_43 = arith.constant 0 : index
      %swap3A_44 = vector.load %arg12[%swap3A_42, %swap3A_43] : memref<4x832xf32, #tpu.memory_space<vmem>>, vector<4x832xf32>
      tpu.vector_store %arg12[%swap3A_42, %swap3A_43], %broadcast_in_dim3A_41 {strides = array<i32>} : memref<4x832xf32, #tpu.memory_space<vmem>>, vector<4x832xf32>,
    } else {
    }
    %eq3A_19 = arith.constant 0 : i32
    %eq3A_20 = arith.cmpi eq, %arg0, %eq3A_19 : i32
    %convert_element_type3A_21 = arith.extui %eq3A_20 : i1 to i32
    %cond3A_22 = arith.constant 0 : i32
    %cond3A_23 = arith.cmpi ne, %convert_element_type3A_21, %cond3A_22 : i32
    scf.if %cond3A_23 {
      %get3A_37 = arith.constant 0 : index
      %get3A_38 = arith.constant 0 : index
      %get3A_39 = vector.load %arg11[%get3A_37, %get3A_38] : memref<4x416xf32, #tpu.memory_space<vmem>>, vector<1x416xf32>
      %reduce_sum3A = arith.constant dense<0.000000e+00> : vector<416xf32>
      %reduce_sum3A_40 = vector.multi_reduction <add>, %max3A_11, %reduce_sum3A [0] : vector<1024x416xf32> to vector<416xf32>
      %broadcast_in_dim3A = vector.shape_cast %reduce_sum3A_40 : vector<416xf32> to vector<1x416xf32>
      %add3A_41 = arith.addf %get3A_39, %broadcast_in_dim3A : vector<1x416xf32>
      %swap3A = arith.constant 0 : index
      %swap3A_42 = arith.constant 0 : index
      %swap3A_43 = vector.load %arg11[%swap3A, %swap3A_42] : memref<4x416xf32, #tpu.memory_space<vmem>>, vector<1x416xf32>
      tpu.vector_store %arg11[%swap3A, %swap3A_42], %add3A_41 {strides = array<i32>} : memref<4x416xf32, #tpu.memory_space<vmem>>, vector<1x416xf32>,
      %get3A_44 = arith.constant 1 : index
      %get3A_45 = arith.constant 0 : index
      %get3A_46 = vector.load %arg11[%get3A_44, %get3A_45] : memref<4x416xf32, #tpu.memory_space<vmem>>, vector<1x416xf32>
      %mul3A = arith.mulf %max3A_11, %max3A_11 : vector<1024x416xf32>
      %reduce_sum3A_47 = arith.constant dense<0.000000e+00> : vector<416xf32>
      %reduce_sum3A_48 = vector.multi_reduction <add>, %mul3A, %reduce_sum3A_47 [0] : vector<1024x416xf32> to vector<416xf32>
      %broadcast_in_dim3A_49 = vector.shape_cast %reduce_sum3A_48 : vector<416xf32> to vector<1x416xf32>
      %add3A_50 = arith.addf %get3A_46, %broadcast_in_dim3A_49 : vector<1x416xf32>
      %swap3A_51 = arith.constant 1 : index
      %swap3A_52 = arith.constant 0 : index
      %swap3A_53 = vector.load %arg11[%swap3A_51, %swap3A_52] : memref<4x416xf32, #tpu.memory_space<vmem>>, vector<1x416xf32>
      tpu.vector_store %arg11[%swap3A_51, %swap3A_52], %add3A_50 {strides = array<i32>} : memref<4x416xf32, #tpu.memory_space<vmem>>, vector<1x416xf32>,
      %get3A_54 = arith.constant 0 : index
      %get3A_55 = arith.constant 0 : index
      %get3A_56 = vector.load %arg12[%get3A_54, %get3A_55] : memref<4x832xf32, #tpu.memory_space<vmem>>, vector<1x832xf32>
      %reduce_sum3A_57 = arith.constant dense<0.000000e+00> : vector<832xf32>
      %reduce_sum3A_58 = vector.multi_reduction <add>, %slice3A, %reduce_sum3A_57 [0] : vector<1024x832xf32> to vector<832xf32>
      %broadcast_in_dim3A_59 = vector.shape_cast %reduce_sum3A_58 : vector<832xf32> to vector<1x832xf32>
      %add3A_60 = arith.addf %get3A_56, %broadcast_in_dim3A_59 : vector<1x832xf32>
      %swap3A_61 = arith.constant 0 : index
      %swap3A_62 = arith.constant 0 : index
      %swap3A_63 = vector.load %arg12[%swap3A_61, %swap3A_62] : memref<4x832xf32, #tpu.memory_space<vmem>>, vector<1x832xf32>
      tpu.vector_store %arg12[%swap3A_61, %swap3A_62], %add3A_60 {strides = array<i32>} : memref<4x832xf32, #tpu.memory_space<vmem>>, vector<1x832xf32>,
      %get3A_64 = arith.constant 1 : index
      %get3A_65 = arith.constant 0 : index
      %get3A_66 = vector.load %arg12[%get3A_64, %get3A_65] : memref<4x832xf32, #tpu.memory_space<vmem>>, vector<1x832xf32>
      %mul3A_67 = arith.mulf %slice3A, %slice3A : vector<1024x832xf32>
      %reduce_sum3A_68 = arith.constant dense<0.000000e+00> : vector<832xf32>
      %reduce_sum3A_69 = vector.multi_reduction <add>, %mul3A_67, %reduce_sum3A_68 [0] : vector<1024x832xf32> to vector<832xf32>
      %broadcast_in_dim3A_70 = vector.shape_cast %reduce_sum3A_69 : vector<832xf32> to vector<1x832xf32>
      %add3A_71 = arith.addf %get3A_66, %broadcast_in_dim3A_70 : vector<1x832xf32>
      %swap3A_72 = arith.constant 1 : index
      %swap3A_73 = arith.constant 0 : index
      %swap3A_74 = vector.load %arg12[%swap3A_72, %swap3A_73] : memref<4x832xf32, #tpu.memory_space<vmem>>, vector<1x832xf32>
      tpu.vector_store %arg12[%swap3A_72, %swap3A_73], %add3A_71 {strides = array<i32>} : memref<4x832xf32, #tpu.memory_space<vmem>>, vector<1x832xf32>,
    } else {
    }
    %eq3A_24 = arith.constant 0 : i32
    %eq3A_25 = arith.cmpi eq, %arg0, %eq3A_24 : i32
    %eq3A_26 = arith.constant 15 : i32
    %eq3A_27 = arith.cmpi eq, %arg1, %eq3A_26 : i32
    %and3A_28 = arith.andi %eq3A_25, %eq3A_27 : i1
    %convert_element_type3A_29 = arith.extui %and3A_28 : i1 to i32
    %cond3A_30 = arith.constant 0 : i32
    %cond3A_31 = arith.cmpi ne, %convert_element_type3A_29, %cond3A_30 : i32
    scf.if %cond3A_31 {
      %get3A_37 = arith.constant 0 : index
      %get3A_38 = arith.constant 0 : index
      %get3A_39 = vector.load %arg11[%get3A_37, %get3A_38] : memref<4x416xf32, #tpu.memory_space<vmem>>, vector<1x416xf32>
      %mul3A = arith.constant 6.10351563E-5 : f32
      %mul3A_40 = vector.broadcast %mul3A : f32 to vector<1x416xf32>
      %mul3A_41 = arith.mulf %get3A_39, %mul3A_40 : vector<1x416xf32>
      %get3A_42 = arith.constant 1 : index
      %get3A_43 = arith.constant 0 : index
      %get3A_44 = vector.load %arg11[%get3A_42, %get3A_43] : memref<4x416xf32, #tpu.memory_space<vmem>>, vector<1x416xf32>
      %mul3A_45 = arith.constant 6.10351563E-5 : f32
      %mul3A_46 = vector.broadcast %mul3A_45 : f32 to vector<1x416xf32>
      %mul3A_47 = arith.mulf %get3A_44, %mul3A_46 : vector<1x416xf32>
      %mul3A_48 = arith.mulf %mul3A_41, %mul3A_41 : vector<1x416xf32>
      %sub3A = arith.subf %mul3A_47, %mul3A_48 : vector<1x416xf32>
      %get3A_49 = arith.constant 0 : index
      %get3A_50 = arith.constant 0 : index
      %get3A_51 = vector.load %arg6[%get3A_49, %get3A_50] : memref<1x416xf32, #tpu.memory_space<vmem>>, vector<1x416xf32>
      %add3A_52 = arith.constant 9.99999974E-6 : f32
      %add3A_53 = vector.broadcast %add3A_52 : f32 to vector<1x416xf32>
      %add3A_54 = arith.addf %sub3A, %add3A_53 : vector<1x416xf32>
      %rsqrt3A = math.rsqrt %add3A_54 : vector<1x416xf32>
      %mul3A_55 = arith.mulf %get3A_51, %rsqrt3A : vector<1x416xf32>
      %swap3A = arith.constant 2 : index
      %swap3A_56 = arith.constant 0 : index
      %swap3A_57 = vector.load %arg11[%swap3A, %swap3A_56] : memref<4x416xf32, #tpu.memory_space<vmem>>, vector<1x416xf32>
      tpu.vector_store %arg11[%swap3A, %swap3A_56], %mul3A_55 {strides = array<i32>} : memref<4x416xf32, #tpu.memory_space<vmem>>, vector<1x416xf32>,
      %get3A_58 = arith.constant 0 : index
      %get3A_59 = arith.constant 0 : index
      %get3A_60 = vector.load %arg7[%get3A_58, %get3A_59] : memref<1x416xf32, #tpu.memory_space<vmem>>, vector<1x416xf32>
      %mul3A_61 = arith.mulf %mul3A_41, %mul3A_55 : vector<1x416xf32>
      %sub3A_62 = arith.subf %get3A_60, %mul3A_61 : vector<1x416xf32>
      %swap3A_63 = arith.constant 3 : index
      %swap3A_64 = arith.constant 0 : index
      %swap3A_65 = vector.load %arg11[%swap3A_63, %swap3A_64] : memref<4x416xf32, #tpu.memory_space<vmem>>, vector<1x416xf32>
      tpu.vector_store %arg11[%swap3A_63, %swap3A_64], %sub3A_62 {strides = array<i32>} : memref<4x416xf32, #tpu.memory_space<vmem>>, vector<1x416xf32>,
      %get3A_66 = arith.constant 0 : index
      %get3A_67 = arith.constant 0 : index
      %get3A_68 = vector.load %arg12[%get3A_66, %get3A_67] : memref<4x832xf32, #tpu.memory_space<vmem>>, vector<1x832xf32>
      %mul3A_69 = arith.constant 6.10351563E-5 : f32
      %mul3A_70 = vector.broadcast %mul3A_69 : f32 to vector<1x832xf32>
      %mul3A_71 = arith.mulf %get3A_68, %mul3A_70 : vector<1x832xf32>
      %get3A_72 = arith.constant 1 : index
      %get3A_73 = arith.constant 0 : index
      %get3A_74 = vector.load %arg12[%get3A_72, %get3A_73] : memref<4x832xf32, #tpu.memory_space<vmem>>, vector<1x832xf32>
      %mul3A_75 = arith.constant 6.10351563E-5 : f32
      %mul3A_76 = vector.broadcast %mul3A_75 : f32 to vector<1x832xf32>
      %mul3A_77 = arith.mulf %get3A_74, %mul3A_76 : vector<1x832xf32>
      %mul3A_78 = arith.mulf %mul3A_71, %mul3A_71 : vector<1x832xf32>
      %sub3A_79 = arith.subf %mul3A_77, %mul3A_78 : vector<1x832xf32>
      %get3A_80 = arith.constant 0 : index
      %get3A_81 = arith.constant 0 : index
      %get3A_82 = vector.load %arg8[%get3A_80, %get3A_81] : memref<1x832xf32, #tpu.memory_space<vmem>>, vector<1x832xf32>
      %add3A_83 = arith.constant 9.99999974E-6 : f32
      %add3A_84 = vector.broadcast %add3A_83 : f32 to vector<1x832xf32>
      %add3A_85 = arith.addf %sub3A_79, %add3A_84 : vector<1x832xf32>
      %rsqrt3A_86 = math.rsqrt %add3A_85 : vector<1x832xf32>
      %mul3A_87 = arith.mulf %get3A_82, %rsqrt3A_86 : vector<1x832xf32>
      %swap3A_88 = arith.constant 2 : index
      %swap3A_89 = arith.constant 0 : index
      %swap3A_90 = vector.load %arg12[%swap3A_88, %swap3A_89] : memref<4x832xf32, #tpu.memory_space<vmem>>, vector<1x832xf32>
      tpu.vector_store %arg12[%swap3A_88, %swap3A_89], %mul3A_87 {strides = array<i32>} : memref<4x832xf32, #tpu.memory_space<vmem>>, vector<1x832xf32>,
      %get3A_91 = arith.constant 0 : index
      %get3A_92 = arith.constant 0 : index
      %get3A_93 = vector.load %arg9[%get3A_91, %get3A_92] : memref<1x832xf32, #tpu.memory_space<vmem>>, vector<1x832xf32>
      %mul3A_94 = arith.mulf %mul3A_71, %mul3A_87 : vector<1x832xf32>
      %sub3A_95 = arith.subf %get3A_93, %mul3A_94 : vector<1x832xf32>
      %swap3A_96 = arith.constant 3 : index
      %swap3A_97 = arith.constant 0 : index
      %swap3A_98 = vector.load %arg12[%swap3A_96, %swap3A_97] : memref<4x832xf32, #tpu.memory_space<vmem>>, vector<1x832xf32>
      tpu.vector_store %arg12[%swap3A_96, %swap3A_97], %sub3A_95 {strides = array<i32>} : memref<4x832xf32, #tpu.memory_space<vmem>>, vector<1x832xf32>,
    } else {
    }
    %eq3A_32 = arith.constant 1 : i32
    %eq3A_33 = arith.cmpi eq, %arg0, %eq3A_32 : i32
    %convert_element_type3A_34 = arith.extui %eq3A_33 : i1 to i32
    %cond3A_35 = arith.constant 0 : i32
    %cond3A_36 = arith.cmpi ne, %convert_element_type3A_34, %cond3A_35 : i32
    scf.if %cond3A_36 {
      %get3A_37 = arith.constant 2 : index
      %get3A_38 = arith.constant 0 : index
      %get3A_39 = vector.load %arg11[%get3A_37, %get3A_38] : memref<4x416xf32, #tpu.memory_space<vmem>>, vector<1x416xf32>
      %mul3A = vector.broadcast %get3A_39 : vector<1x416xf32> to vector<1024x416xf32>
      %mul3A_40 = arith.mulf %max3A_11, %mul3A : vector<1024x416xf32>
      %get3A_41 = arith.constant 3 : index
      %get3A_42 = arith.constant 0 : index
      %get3A_43 = vector.load %arg11[%get3A_41, %get3A_42] : memref<4x416xf32, #tpu.memory_space<vmem>>, vector<1x416xf32>
      %add3A_44 = vector.broadcast %get3A_43 : vector<1x416xf32> to vector<1024x416xf32>
      %add3A_45 = arith.addf %mul3A_40, %add3A_44 : vector<1024x416xf32>
      %swap3A = arith.constant 0 : index
      %swap3A_46 = arith.constant 0 : index
      %swap3A_47 = vector.load %arg10[%swap3A, %swap3A_46] : memref<1024x1248xf32, #tpu.memory_space<vmem>>, vector<1024x416xf32>
      tpu.vector_store %arg10[%swap3A, %swap3A_46], %add3A_45 {strides = array<i32>} : memref<1024x1248xf32, #tpu.memory_space<vmem>>, vector<1024x416xf32>,
      %get3A_48 = arith.constant 2 : index
      %get3A_49 = arith.constant 0 : index
      %get3A_50 = vector.load %arg12[%get3A_48, %get3A_49] : memref<4x832xf32, #tpu.memory_space<vmem>>, vector<1x832xf32>
      %mul3A_51 = vector.broadcast %get3A_50 : vector<1x832xf32> to vector<1024x832xf32>
      %mul3A_52 = arith.mulf %slice3A, %mul3A_51 : vector<1024x832xf32>
      %get3A_53 = arith.constant 3 : index
      %get3A_54 = arith.constant 0 : index
      %get3A_55 = vector.load %arg12[%get3A_53, %get3A_54] : memref<4x832xf32, #tpu.memory_space<vmem>>, vector<1x832xf32>
      %add3A_56 = vector.broadcast %get3A_55 : vector<1x832xf32> to vector<1024x832xf32>
      %add3A_57 = arith.addf %mul3A_52, %add3A_56 : vector<1024x832xf32>
      %swap3A_58 = arith.constant 0 : index
      %swap3A_59 = arith.constant 416 : index
      %swap3A_60 = vector.load %arg10[%swap3A_58, %swap3A_59] : memref<1024x1248xf32, #tpu.memory_space<vmem>>, vector<1024x832xf32>
      tpu.vector_store %arg10[%swap3A_58, %swap3A_59], %add3A_57 {strides = array<i32>} : memref<1024x1248xf32, #tpu.memory_space<vmem>>, vector<1024x832xf32>,
    } else {
    }
    return
  }
  func.func @transform_0(%arg0: i32, %arg1: i32) -> (i32, i32) {
    %c0_i32 = arith.constant 0 : i32
    %c0_i32_0 = arith.constant 0 : i32
    return %arg1, %c0_i32 : i32, i32
  }
  func.func @transform_1(%arg0: i32, %arg1: i32) -> (i32, i32) {
    %c0_i32 = arith.constant 0 : i32
    %c0_i32_0 = arith.constant 0 : i32
    %c0_i32_1 = arith.constant 0 : i32
    return %c0_i32, %c0_i32_0 : i32, i32
  }
  func.func @transform_2(%arg0: i32, %arg1: i32) -> (i32, i32) {
    %c0_i32 = arith.constant 0 : i32
    %c0_i32_0 = arith.constant 0 : i32
    %c0_i32_1 = arith.constant 0 : i32
    return %c0_i32, %c0_i32_0 : i32, i32
  }
  func.func @transform_3(%arg0: i32, %arg1: i32) -> (i32, i32) {
    %c0_i32 = arith.constant 0 : i32
    %c0_i32_0 = arith.constant 0 : i32
    return %arg1, %c0_i32 : i32, i32
  }
  func.func @transform_4(%arg0: i32, %arg1: i32) -> (i32, i32) {
    %c0_i32 = arith.constant 0 : i32
    %c0_i32_0 = arith.constant 0 : i32
    %c0_i32_1 = arith.constant 0 : i32
    return %c0_i32, %c0_i32_0 : i32, i32
  }
  func.func @transform_5(%arg0: i32, %arg1: i32) -> (i32, i32) {
    %c0_i32 = arith.constant 0 : i32
    %c0_i32_0 = arith.constant 0 : i32
    %c0_i32_1 = arith.constant 0 : i32
    return %c0_i32, %c0_i32_0 : i32, i32
  }
  func.func @transform_6(%arg0: i32, %arg1: i32) -> (i32, i32) {
    %c0_i32 = arith.constant 0 : i32
    %c0_i32_0 = arith.constant 0 : i32
    %c0_i32_1 = arith.constant 0 : i32
    return %c0_i32, %c0_i32_0 : i32, i32
  }
  func.func @transform_7(%arg0: i32, %arg1: i32) -> (i32, i32) {
    %c0_i32 = arith.constant 0 : i32
    %c0_i32_0 = arith.constant 0 : i32
    %c0_i32_1 = arith.constant 0 : i32
    return %c0_i32, %c0_i32_0 : i32, i32
  }
  func.func @transform_8(%arg0: i32, %arg1: i32) -> (i32, i32) {
    %eq3A = arith.constant 0 : i32
    %eq3A_0 = arith.cmpi eq, %arg0, %eq3A : i32
    %jit3A = arith.constant 0 : i32
    %select_n3A = arith.select %eq3A_0, %jit3A, %arg1 : i32
    %c0_i32 = arith.constant 0 : i32
    %c0_i32_1 = arith.constant 0 : i32
    return %select_n3A, %c0_i32 : i32, i32
  }
}

</mosaic_0001>

<sc_bundles>
// kernel: kernel.5.cloned.1.call-start
scs
__scs_entry_jumppad:
0x0: {  	(pc) =	sbr.rel $0x88, $3  }
0x1: {  	(tag) =	ssettag $0x0;
	lr =	simm.s32 $0x1  }
0x2: {  	[smem:$0x3F9B] =	sst lr;
	_ =	strace $0xD0000000  }
0x3: {  	_ = 	snop  }
0x4: {  	_ = 	snop  }
0x5: {  	_ = 	snop  }
0x6: {  	_ = 	snop  }
0x7: {  	_ = 	snop  }
__scs_overlays_trampoline_lowered:
0x8: {  	[smem:$0x3FAA] =	sst s0  }
0x9: {  	[smem:$0x3FAB] =	sst s1  }
0xa: {  	[smem:$0x3FAC] =	sst s2  }
0xb: {  	[smem:$0x3FAD] =	sst s3  }
0xc: {  	[smem:$0x3FAE] =	sst s4  }
0xd: {  	[smem:$0x3FAF] =	sst s5  }
0xe: {  	[smem:$0x3FB0] =	sst s6  }
0xf: {  	[smem:$0x3FB1] =	sst s7  }
0x10: {  	[smem:$0x3FB2] =	sst s8  }
0x11: {  	[smem:$0x3FB3] =	sst s9;
	s0 =	simm.s32 @!p0 $0x0  }
0x12: {  	s1 =	sld [smem:$0x3F99];
	s0 =	simm.s32 @p0 $0x1  }
0x13: {  	[smem:$0x3FB4] =	sst s0;
	s0 =	simm.s32 @!p1 $0x0  }
0x14: {  	s2 =	sld [smem:$0x3F98];
	s0 =	simm.s32 @p1 $0x1  }
0x15: {  	[smem:$0x3FB5] =	sst s0;
	s0 =	simm.s32 @!p2 $0x0  }
0x16: {  	s3 =	sld [smem:$0x3FDB];
	s0 =	simm.s32 @p2 $0x1  }
0x17: {  	s4 =	simm.s32 $0x1BF5;
	[smem:$0x3FB7] =	sst s0  }
0x18: {  	s0 =	sld [smem:$0x3F9A];
	_ =	swait.ge [sflag:s4], $0x0  }
0x19: {  	s7 =	sld [smem:$0x3F9B]  }
0x1a: {  	s8 =	sadd.s32 $0xFFFFE003, lr  }
0x1b: {  	s9 =	sadd.s32 $0xFFFFFEF7, lr;
	s5 =	simm.s32 $0xFFFFFFFF;
	p2 =	slt.u32 s8, $0xFFFFF086  }
0x1c: {  	p1 =	slt.u32 s9, $0xF7A;
	s5 =	simm.s32 @!p2 $0x0  }
0x1d: {  	s5 =	simm.s32 @p1 $0x1;
	p0 =	seq.s32 s7, s2  }
0x1e: {  	s7 =	smul.u32 @!p0 $0xF7A, s2;
	p2 =	seq.s32 @!p0 s5, $0x0  }
0x1f: {  	s9 =	smul.u32 $0xF7A, s1;
	s8 =	simm.s32 @!p0 $0x1BF5;
	p2 =	por !p2, p0  }
0x20: {  	[sflag:s8] =	ssyncset.s32 @!p0 $0xFFFFF086;
	s6 =	sadd.s32 @!p0 s3, s7;
	s7 =	simm.s32 @!p0 $0x108  }
0x21: {  	s3 =	sadd.s32 s3, s9;
	s6 =	sadd.s32 @!p0 $0x88, s6;
	s7 =	simm.s32 @p2 $0x1082  }
0x22: {  	[simem:s7], [sflag:s8] =	dma.local @!p0 [hbm:s6], $0xF7A  }
0x23: {  	s9 =	sor.u32 $0xD0000000, s2;
	s6 =	simm.s32 $0x108;
	_ =	swait.ge @!p0 [sflag:s8], $0x0  }
0x24: {  	s3 =	sadd.s32 $0x88, s3;
	s6 =	simm.s32 @!p1 $0x1082;
	[sflag:s4] =	ssyncset.s32 $0xFFFFF086  }
0x25: {  	[simem:s6], [sflag:s4] =	dma.local [hbm:s3], $0xF7A  }
0x26: {  	[smem:$0x3F9B] =	sst s1;
	(tag) =	ssettag s2;
	_ =	strace s9  }
0x27: {  	s1 =	sld [smem:$0x3FAB]  }
0x28: {  	s2 =	sld [smem:$0x3FAC]  }
0x29: {  	s4 =	sld [smem:$0x3FAE]  }
0x2a: {  	p0 =	seq.s32 s5, $0x0;
	s5 =	sld [smem:$0x3FAF]  }
0x2b: {  	s6 =	sld [smem:$0x3FB0]  }
0x2c: {  	s7 =	sld [smem:$0x3FB1]  }
0x2d: {  	s3 =	simm.s32 $0x108;
	s8 =	sld [smem:$0x3FB2]  }
0x2e: {  	s3 =	simm.s32 @!p0 $0x1082;
	s9 =	sld [smem:$0x3FB3]  }
0x2f: {  	lr =	sadd.s32 s0, s3;
	s0 =	sld [smem:$0x3FAA]  }
0x30: {  	s3 =	sld [smem:$0x3FAD]  }
0x31: {  	[smem:$0x3FB6] =	sst s10  }
0x32: {  	s10 =	sld [smem:$0x3FB4];
	_ =	sdelay $0x3  }
0x33: {  	p0 =	seq.s32 s10, $0x1;
	s10 =	sld [smem:$0x3FB6];
	_ =	sdelay $0x3  }
0x34: {  	[smem:$0x3FB6] =	sst s10  }
0x35: {  	s10 =	sld [smem:$0x3FB5];
	_ =	sdelay $0x3  }
0x36: {  	p1 =	seq.s32 s10, $0x1;
	s10 =	sld [smem:$0x3FB6];
	_ =	sdelay $0x3  }
0x37: {  	[smem:$0x3FB6] =	sst s10  }
0x38: {  	s10 =	sld [smem:$0x3FB7]  }
0x39: {  	_ = 	snop;
	(pc) =	sbr.ind lr, $3  }
0x3a: {  	_ = 	snop  }
0x3b: {  	_ = 	snop  }
0x3c: {  	p2 =	seq.s32 s10, $0x1;
	s10 =	sld [smem:$0x3FB6]  }
0x3d: {  	_ =	shalt  }
0x3e: {  	_ =	shalt  }
0x3f: {  	_ =	shalt  }
0x40: {  	_ =	shalt  }
0x41: {  	_ =	shalt  }
0x42: {  	_ =	shalt  }
0x43: {  	_ =	shalt  }
0x44: {  	_ =	shalt  }
0x45: {  	_ =	shalt  }
0x46: {  	_ =	shalt  }
0x47: {  	_ =	shalt  }
0x48: {  	_ =	shalt  }
0x49: {  	_ =	shalt  }
0x4a: {  	_ =	shalt  }
0x4b: {  	_ =	shalt  }
0x4c: {  	_ =	shalt  }
0x4d: {  	_ =	shalt  }
0x4e: {  	_ =	shalt  }
0x4f: {  	_ =	shalt  }
0x50: {  	_ =	shalt  }
0x51: {  	_ =	shalt  }
0x52: {  	_ =	shalt  }
0x53: {  	_ =	shalt  }
0x54: {  	_ =	shalt  }
0x55: {  	_ =	shalt  }
0x56: {  	_ =	shalt  }
0x57: {  	_ =	shalt  }
0x58: {  	_ =	shalt  }
0x59: {  	_ =	shalt  }
0x5a: {  	_ =	shalt  }
0x5b: {  	_ =	shalt  }
0x5c: {  	_ =	shalt  }
0x5d: {  	_ =	shalt  }
0x5e: {  	_ =	shalt  }
0x5f: {  	_ =	shalt  }
0x60: {  	_ =	shalt  }
0x61: {  	_ =	shalt  }
0x62: {  	_ =	shalt  }
0x63: {  	_ =	shalt  }
0x64: {  	_ =	shalt  }
0x65: {  	_ =	shalt  }
0x66: {  	_ =	shalt  }
0x67: {  	_ =	shalt  }
0x68: {  	_ =	shalt  }
0x69: {  	_ =	shalt  }
0x6a: {  	_ =	shalt  }
0x6b: {  	_ =	shalt  }
0x6c: {  	_ =	shalt  }
0x6d: {  	_ =	shalt  }
0x6e: {  	_ =	shalt  }
0x6f: {  	_ =	shalt  }
0x70: {  	_ =	shalt  }
0x71: {  	_ =	shalt  }
0x72: {  	_ =	shalt  }
0x73: {  	_ =	shalt  }
0x74: {  	_ =	shalt  }
0x75: {  	_ =	shalt  }
0x76: {  	_ =	shalt  }
0x77: {  	_ =	shalt  }
0x78: {  	_ =	shalt  }
0x79: {  	_ =	shalt  }
0x7a: {  	_ =	shalt  }
0x7b: {  	_ =	shalt  }
0x7c: {  	_ =	shalt  }
0x7d: {  	_ =	shalt  }
0x7e: {  	_ =	shalt  }
0x7f: {  	_ =	shalt  }
0x80: {  	_ =	shalt  }
0x81: {  	_ =	shalt  }
0x82: {  	_ =	shalt  }
0x83: {  	_ =	shalt  }
0x84: {  	_ =	shalt  }
0x85: {  	_ =	shalt  }
0x86: {  	_ =	shalt  }
0x87: {  	_ =	shalt  }
.Lfunc_end0:
.L_simem_size_0:
called_computation_lowered:
.L_overlay_start_0:
0x88: {  	s2 =	sld [smem:$0x3FD9]  }
0x89: {  	s3 =	sld [smem:$0x3FFE];
	_ =	sdelay $0x1  }
0x8a: {  	s1 =	srdreg.scid  }
0x8b: {  	s0 =	sand.u32 $0x1, s1  }
0x8c: {  	s17 =	sshll.u32 s0, $0xA;
	s2 =	sadd.s32 s3, s2  }
0x8d: {  	s2 =	sadd.s32 s2, s17  }
0x8e: {  	[smem:$0x3FC2] =	sst s2  }
0x8f: {  	_ = 	snop  }
0x90: {  	s2 =	sld [smem:$0x3FD0];
	(tm) =	ssettm $0x1  }
0x91: {  	s18 =	sld [smem:$0x3FFB];
	_ =	sdelay $0x3  }
0x92: {  	_ =	strace s18  }
0x93: {  	s3 =	sld [smem:$0x3FFC];
	_ =	sdelay $0x3  }
0x94: {  	_ =	strace s3  }
0x95: {  	s3 =	sld [smem:$0x3FFD];
	_ =	sdelay $0x3  }
0x96: {  	_ =	strace s3  }
0x97: {  	_ =	strace $0x8FFFFFFF  }
0x98: {  	s19 =	sld [smem:$0x3FDB];
	_ =	sdelay $0x1  }
0x99: {  	s4 =	simm.s32 $_scs_section_size  }
0x9a: {  	s5 =	simm.s32 $_size__tile_overlayer_lowered;
	s6 =	simm.s32 $_tile_overlayer_lowered  }
0x9b: {  	s22 =	simm.s32 $0x1BFF;
	s21 =	sshll.u32 s6, $0x1;
	s3 =	sadd.s32 s4, s19  }
0x9c: {  	s7 =	simm.s32 $0x0;
	s20 =	sshll.u32 s5, $0x1;
	s5 =	sadd.s32 s21, s3  }
0x9d: {  	[timem:s7], [sflag:s22] =	dma.local [hbm:s5], s20  }
0x9e: {  	_ =	swait.ge [sflag:s22], s20  }
0x9f: {  	s4 =	ssub.s32 $0x0, s20;
	[sflag:s22] =	ssyncset.done $0x0  }
0xa0: {  	[sflag:s22] =	ssyncadd.s32 s4;
	_ =	sdelay $0x1  }
0xa1: {  	s23 =	simm.s32 $0x1B8B  }
0xa2: {  	_ =	swait.ge [sflag:s23], $0x1  }
0xa3: {  	[sflag:s23] =	ssyncset.done $0x0  }
0xa4: {  	s25 =	simm.s32 $0x1B8E;
	s24 =	sld [smem:$0x3FFE];
	[sflag:s23] =	ssyncadd.s32 $0xFFFFFFFF  }
0xa5: {  	s26 =	simm.s32 $execute0_lowered;
	[smem:$0x3FD2] =	sst s25  }
0xa6: {  	s5 =	sshll.u32 s26, $0x1;
	_ =	strace $0x80000046;
	[dreg:$0x1] =	wrdreg $0xFFFFFFFF  }
0xa7: {  	s28 =	simm.s32 $_size_execute0_lowered;
	s3 =	sadd.s32 s3, s5;
	[dreg:$0x0] =	wrdreg $0x0  }
0xa8: {  	s5 =	sshll.u32 s28, $0x1;
	[dreg:$0x2] =	wrdreg s3  }
0xa9: {  	[dreg:$0x3] =	wrdreg s5  }
0xaa: {  	[dreg:$0x4] =	wrdreg $0xC0  }
0xab: {  	_ =	task [dreg:s7], $0x5FFFF  }
0xac: {  	[dreg:$0x1] =	wrdreg $0xFFFFFFFF  }
0xad: {  	[dreg:$0x0] =	wrdreg $0x60  }
0xae: {  	[dreg:$0x2] =	wrdreg s24  }
0xaf: {  	[dreg:$0x3] =	wrdreg s2  }
0xb0: {  	[dreg:$0x4] =	wrdreg $0x9  }
0xb1: {  	_ =	task.clear_ibuf [dreg:s7], $0x5FFFF;
	_ =	strace $0x90000046  }
0xb2: {  	s29 =	simm.s32 $0x9;
	_ =	strace $0x80000048  }
0xb3: {  	_ =	swait.ge [sflag:s29], $0x1  }
0xb4: {  	[sflag:s29] =	ssyncadd.s32 $0xFFFFFFFF  }
0xb5: {  	_ =	strace $0x90000048  }
0xb6: {  	_ =	sfence  }
0xb7: {  	s30 =	sld [smem:$0x0];
	_ =	sdelay $0x2  }
0xb8: {  	s31 =	sshll.u32 s1, $0xD;
	s1 =	sshrl.u32 s1, $0x2  }
0xb9: {  	s3 =	sand.u32 $0x4000, s31;
	s1 =	sadd.s32 s1, s30  }
0xba: {  	s0 =	sor.u32 s3, s0;
	s1 =	sshll.u32 s1, $0x11  }
0xbb: {  	s0 =	sor.u32 s1, s0  }
0xbc: {  	s0 =	sadd.s32 $0x8F2B, s0  }
0xbd: {  	[sflag:s0] =	ssyncadd.remote.s32 $0x1  }
0xbe: {  	_ =	sfence.sel $0xFFFF  }
0xbf: {  	[dreg:$0x0] =	wrdreg $0xFFFFFFFF;
	(pc) =	sbr.abs _section_cstart, $3  }
0xc0: {  	[dreg:$0x1] =	wrdreg $0xFFFFFFFF  }
0xc1: {  	_ =	task.clear_ibuf [dreg:s7], $0x2FFFF;
	_ =	strace $0x9FFFFFFF  }
0xc2: {  	(tm) =	ssettm $0x7FFFFFFF  }
0xc3: {  	_ =	shalt  }
tec
execute0_lowered:
.L_overlay_start_1:
0x0: {  	(tag) =	ssettag $0x1  }
0x1: {  	s4 =	rddreg [dreg:$0x0]  }
0x2: {  	s6 =	rddreg [dreg:$0x1]  }
0x3: {  	s0 =	rddreg [dreg:$0x2]  }
0x4: {  	s1 =	stileid.u32;
	s2 =	simm.s32 $0x0;
	s3 =	srdreg.scid  }
0x5: {  	s11 =	simm.s32 $0x100;
	s12 =	simm.s32 $0x2400;
	s13 =	simm.s32 $0x180  }
0x6: {  	s14 =	simm.s32 $0x3400;
	s15 =	simm.s32 $0x200;
	s16 =	simm.s32 $0x4400  }
0x7: {  	s17 =	simm.s32 $0x280;
	s18 =	simm.s32 $0x5400;
	s19 =	simm.s32 $0x300  }
0x8: {  	s20 =	simm.s32 $0x6400;
	s21 =	simm.s32 $0x380;
	s22 =	simm.s32 $0x7400  }
0x9: {  	s23 =	simm.s32 $0x1;
	s24 =	simm.s32 $0x0;
	s5 =	smul.u32 $0x1C000, s1  }
0xa: {  	[smem:$0x7FF] =	sst s2;
	s7 =	sand.u32 $0x1, s3;
	s8 =	smul.u32 $0x7000, s1  }
0xb: {  	s3 =	sadd.s32 $0x1000, s4;
	s9 =	smul.u32 $0x3800, s7;
	s10 =	ssub.s32 $0x2, s7  }
0xc: {  	_ =	strace $0x80000047;
	s7 =	smul.u32 $0xE000, s7;
	s31 =	sshrl.u32 s10, $0x1  }
0xd: {  	s4 =	sadd.s32 s5, s4;
	s8 =	sadd.s32 s9, s8;
	s5 =	ssub.s32 s10, s31  }
0xe: {  	s7 =	sadd.s32 s7, s4;
	s9 =	simm.s32 $0x400;
	s10 =	simm.s32 $0x1400  }
0xf: {  	s8 =	sshrl.u32 s8, $0x3;
	s4 =	smax.u32 s5, $0x1;
	s5 =	sadd.s32 $0xA29000, s7  }
0x10: {  	s7 =	simm.s32 $0x2;
	s6 =	sadd.s32 s8, s6;
	s8 =	simm.s32 $0x80  }
.LBB2_1:
0x11: {  	s25 =	sadd.s32 $0x0, s6  }
0x12: {  	[tilespmem:s2], [sflag:$0x2] =	stream.linear.gather [hbm4b:s25+s2], $0x400, $0x38;
	[tilespmem:$0x8400] =	vst v63  }
0x13: {  	_ =	swait.ge [sflag:s7], $0x400  }
0x14: {  	[sflag:s7] =	ssyncset.done $0x0  }
0x15: {  	[sflag:s7] =	ssyncadd.s32 $0xFFFFFC00  }
0x16: {  	[tilespmem:s9], [sflag:$0x1] =	stream.indirect.gather [hbm4b:s3+s8], $0x20, s2, s8, $0xb8;
	[tilespmem:$0x8400] =	vst v63  }
0x17: {  	_ = 	snop  }
0x18: {  	[tilespmem:s10], [sflag:$0x1] =	stream.indirect.gather [hbm4b:s3+s8], $0x20, s8, s8, $0xb8;
	[tilespmem:$0x8400] =	vst v63  }
0x19: {  	_ = 	snop  }
0x1a: {  	[tilespmem:s12], [sflag:$0x1] =	stream.indirect.gather [hbm4b:s3+s8], $0x20, s11, s8, $0xb8;
	[tilespmem:$0x8400] =	vst v63  }
0x1b: {  	_ = 	snop  }
0x1c: {  	[tilespmem:s14], [sflag:$0x1] =	stream.indirect.gather [hbm4b:s3+s8], $0x20, s13, s8, $0xb8;
	[tilespmem:$0x8400] =	vst v63  }
0x1d: {  	_ = 	snop  }
0x1e: {  	[tilespmem:s16], [sflag:$0x1] =	stream.indirect.gather [hbm4b:s3+s8], $0x20, s15, s8, $0xb8;
	[tilespmem:$0x8400] =	vst v63  }
0x1f: {  	_ = 	snop  }
0x20: {  	[tilespmem:s18], [sflag:$0x1] =	stream.indirect.gather [hbm4b:s3+s8], $0x20, s17, s8, $0xb8;
	[tilespmem:$0x8400] =	vst v63  }
0x21: {  	_ = 	snop  }
0x22: {  	[tilespmem:s20], [sflag:$0x1] =	stream.indirect.gather [hbm4b:s3+s8], $0x20, s19, s8, $0xb8;
	[tilespmem:$0x8400] =	vst v63  }
0x23: {  	_ = 	snop  }
0x24: {  	[tilespmem:s22], [sflag:$0x1] =	stream.indirect.gather [hbm4b:s3+s8], $0x20, s21, s8, $0xb8;
	[tilespmem:$0x8400] =	vst v63  }
0x25: {  	_ =	swait.ge [sflag:s23], $0x1000  }
0x26: {  	[sflag:s23] =	ssyncset.done $0x0  }
0x27: {  	[sflag:s23] =	ssyncadd.s32 $0xFFFFF000  }
0x28: {  	_ =	swait.ge [sflag:s23], $0x1000  }
0x29: {  	[sflag:s23] =	ssyncset.done $0x0  }
0x2a: {  	[sflag:s23] =	ssyncadd.s32 $0xFFFFF000  }
0x2b: {  	_ =	swait.ge [sflag:s23], $0x1000  }
0x2c: {  	[sflag:s23] =	ssyncset.done $0x0  }
0x2d: {  	[sflag:s23] =	ssyncadd.s32 $0xFFFFF000  }
0x2e: {  	_ =	swait.ge [sflag:s23], $0x1000  }
0x2f: {  	[sflag:s23] =	ssyncset.done $0x0  }
0x30: {  	[sflag:s23] =	ssyncadd.s32 $0xFFFFF000  }
0x31: {  	_ =	swait.ge [sflag:s23], $0x1000  }
0x32: {  	[sflag:s23] =	ssyncset.done $0x0  }
0x33: {  	[sflag:s23] =	ssyncadd.s32 $0xFFFFF000  }
0x34: {  	_ =	swait.ge [sflag:s23], $0x1000  }
0x35: {  	[sflag:s23] =	ssyncset.done $0x0  }
0x36: {  	[sflag:s23] =	ssyncadd.s32 $0xFFFFF000  }
0x37: {  	_ =	swait.ge [sflag:s23], $0x1000  }
0x38: {  	[sflag:s23] =	ssyncset.done $0x0  }
0x39: {  	[sflag:s23] =	ssyncadd.s32 $0xFFFFF000  }
0x3a: {  	_ =	swait.ge [sflag:s23], $0x1000  }
0x3b: {  	[sflag:s23] =	ssyncset.done $0x0  }
0x3c: {  	[sflag:s23] =	ssyncadd.s32 $0xFFFFF000  }
0x3d: {  	[hbm4b:s5+s2] =	stream.linear.scatter [tilespmem:s9], [sflag:$0x2], $0x8000, $0x38;
	[tilespmem:$0x8400] =	vst v63  }
0x3e: {  	s26 =	simm.s32 $0x80;
	_ =	swait.ge [sflag:s7], $0x8000  }
0x3f: {  	s29 =	simm.s32 $0x100;
	s25 =	sadd.s32 $0x1000, s5;
	[sflag:s7] =	ssyncset.done $0x0  }
.LBB2_2:
0x40: {  	s30 =	sadd.s32 s26, s6  }
0x41: {  	[sflag:s7] =	ssyncadd.s32 $0xFFFF8000;
	s26 =	smov.u32 s29;
	s28 =	sadd.s32 $0x80, s29  }
0x42: {  	[tilespmem:s2], [sflag:$0x2] =	stream.linear.gather [hbm4b:s30+s2], $0x400, $0x38;
	[tilespmem:$0x8400] =	vst v63  }
0x43: {  	p0 =	sne.s32 s29, $0x680;
	_ =	swait.ge [sflag:s7], $0x400  }
0x44: {  	[sflag:s7] =	ssyncset.done $0x0  }
0x45: {  	[sflag:s7] =	ssyncadd.s32 $0xFFFFFC00  }
0x46: {  	[tilespmem:s9], [sflag:$0x1] =	stream.indirect.gather [hbm4b:s3+s8], $0x20, s2, s8, $0xb8;
	[tilespmem:$0x8400] =	vst v63  }
0x47: {  	_ = 	snop  }
0x48: {  	[tilespmem:s10], [sflag:$0x1] =	stream.indirect.gather [hbm4b:s3+s8], $0x20, s8, s8, $0xb8;
	[tilespmem:$0x8400] =	vst v63  }
0x49: {  	_ = 	snop  }
0x4a: {  	[tilespmem:s12], [sflag:$0x1] =	stream.indirect.gather [hbm4b:s3+s8], $0x20, s11, s8, $0xb8;
	[tilespmem:$0x8400] =	vst v63  }
0x4b: {  	_ = 	snop  }
0x4c: {  	[tilespmem:s14], [sflag:$0x1] =	stream.indirect.gather [hbm4b:s3+s8], $0x20, s13, s8, $0xb8;
	[tilespmem:$0x8400] =	vst v63  }
0x4d: {  	_ = 	snop  }
0x4e: {  	[tilespmem:s16], [sflag:$0x1] =	stream.indirect.gather [hbm4b:s3+s8], $0x20, s15, s8, $0xb8;
	[tilespmem:$0x8400] =	vst v63  }
0x4f: {  	_ = 	snop  }
0x50: {  	[tilespmem:s18], [sflag:$0x1] =	stream.indirect.gather [hbm4b:s3+s8], $0x20, s17, s8, $0xb8;
	[tilespmem:$0x8400] =	vst v63  }
0x51: {  	_ = 	snop  }
0x52: {  	[tilespmem:s20], [sflag:$0x1] =	stream.indirect.gather [hbm4b:s3+s8], $0x20, s19, s8, $0xb8;
	[tilespmem:$0x8400] =	vst v63  }
0x53: {  	_ = 	snop  }
0x54: {  	[tilespmem:s22], [sflag:$0x1] =	stream.indirect.gather [hbm4b:s3+s8], $0x20, s21, s8, $0xb8;
	[tilespmem:$0x8400] =	vst v63  }
0x55: {  	_ =	swait.ge [sflag:s23], $0x1000  }
0x56: {  	[sflag:s23] =	ssyncset.done $0x0  }
0x57: {  	[sflag:s23] =	ssyncadd.s32 $0xFFFFF000  }
0x58: {  	_ =	swait.ge [sflag:s23], $0x1000  }
0x59: {  	[sflag:s23] =	ssyncset.done $0x0  }
0x5a: {  	[sflag:s23] =	ssyncadd.s32 $0xFFFFF000  }
0x5b: {  	_ =	swait.ge [sflag:s23], $0x1000  }
0x5c: {  	[sflag:s23] =	ssyncset.done $0x0  }
0x5d: {  	[sflag:s23] =	ssyncadd.s32 $0xFFFFF000  }
0x5e: {  	_ =	swait.ge [sflag:s23], $0x1000  }
0x5f: {  	[sflag:s23] =	ssyncset.done $0x0  }
0x60: {  	[sflag:s23] =	ssyncadd.s32 $0xFFFFF000  }
0x61: {  	_ =	swait.ge [sflag:s23], $0x1000  }
0x62: {  	[sflag:s23] =	ssyncset.done $0x0  }
0x63: {  	[sflag:s23] =	ssyncadd.s32 $0xFFFFF000  }
0x64: {  	_ =	swait.ge [sflag:s23], $0x1000  }
0x65: {  	[sflag:s23] =	ssyncset.done $0x0  }
0x66: {  	[sflag:s23] =	ssyncadd.s32 $0xFFFFF000  }
0x67: {  	_ =	swait.ge [sflag:s23], $0x1000  }
0x68: {  	[sflag:s23] =	ssyncset.done $0x0  }
0x69: {  	[sflag:s23] =	ssyncadd.s32 $0xFFFFF000  }
0x6a: {  	_ =	swait.ge [sflag:s23], $0x1000  }
.Ltmp0:
0x6b: {  	[sflag:s23] =	ssyncset.done $0x0;
	(pc) =	sbr.rel @p0 .LBB2_2-.Ltmp0, $4  }
0x6c: {  	[sflag:s23] =	ssyncadd.s32 $0xFFFFF000  }
0x6d: {  	[hbm4b:s25+s2] =	stream.linear.scatter [tilespmem:s9], [sflag:$0x2], $0x8000, $0x38;
	[tilespmem:$0x8400] =	vst v63  }
0x6e: {  	_ =	swait.ge [sflag:s7], $0x8000  }
0x6f: {  	s29 =	smov.u32 s28;
	s25 =	sadd.s32 $0x1000, s25;
	[sflag:s7] =	ssyncset.done $0x0  }
0x70: {  	s26 =	sadd.s32 s26, s6;
	[sflag:s7] =	ssyncadd.s32 $0xFFFF8000  }
0x71: {  	[tilespmem:s2], [sflag:$0x2] =	stream.linear.gather [hbm4b:s26+s2], $0x400, $0x38;
	[tilespmem:$0x8400] =	vst v63  }
0x72: {  	_ =	swait.ge [sflag:s7], $0x400  }
0x73: {  	[sflag:s7] =	ssyncset.done $0x0  }
0x74: {  	[sflag:s7] =	ssyncadd.s32 $0xFFFFFC00  }
0x75: {  	[tilespmem:s9], [sflag:$0x1] =	stream.indirect.gather [hbm4b:s3+s8], $0x20, s2, s8, $0xb8;
	[tilespmem:$0x8400] =	vst v63  }
0x76: {  	_ = 	snop  }
0x77: {  	[tilespmem:s10], [sflag:$0x1] =	stream.indirect.gather [hbm4b:s3+s8], $0x20, s8, s8, $0xb8;
	[tilespmem:$0x8400] =	vst v63  }
0x78: {  	_ = 	snop  }
0x79: {  	[tilespmem:s12], [sflag:$0x1] =	stream.indirect.gather [hbm4b:s3+s8], $0x20, s11, s8, $0xb8;
	[tilespmem:$0x8400] =	vst v63  }
0x7a: {  	_ = 	snop  }
0x7b: {  	[tilespmem:s14], [sflag:$0x1] =	stream.indirect.gather [hbm4b:s3+s8], $0x20, s13, s8, $0xb8;
	[tilespmem:$0x8400] =	vst v63  }
0x7c: {  	_ = 	snop  }
0x7d: {  	[tilespmem:s16], [sflag:$0x1] =	stream.indirect.gather [hbm4b:s3+s8], $0x20, s15, s8, $0xb8;
	[tilespmem:$0x8400] =	vst v63  }
0x7e: {  	_ = 	snop  }
0x7f: {  	[tilespmem:s18], [sflag:$0x1] =	stream.indirect.gather [hbm4b:s3+s8], $0x20, s17, s8, $0xb8;
	[tilespmem:$0x8400] =	vst v63  }
0x80: {  	_ = 	snop  }
0x81: {  	[tilespmem:s20], [sflag:$0x1] =	stream.indirect.gather [hbm4b:s3+s8], $0x20, s19, s8, $0xb8;
	[tilespmem:$0x8400] =	vst v63  }
0x82: {  	_ = 	snop  }
0x83: {  	[tilespmem:s22], [sflag:$0x1] =	stream.indirect.gather [hbm4b:s3+s8], $0x20, s21, s8, $0xb8;
	[tilespmem:$0x8400] =	vst v63  }
0x84: {  	_ =	swait.ge [sflag:s23], $0x1000  }
0x85: {  	[sflag:s23] =	ssyncset.done $0x0  }
0x86: {  	[sflag:s23] =	ssyncadd.s32 $0xFFFFF000  }
0x87: {  	_ =	swait.ge [sflag:s23], $0x1000  }
0x88: {  	[sflag:s23] =	ssyncset.done $0x0  }
0x89: {  	[sflag:s23] =	ssyncadd.s32 $0xFFFFF000  }
0x8a: {  	_ =	swait.ge [sflag:s23], $0x1000  }
0x8b: {  	[sflag:s23] =	ssyncset.done $0x0  }
0x8c: {  	[sflag:s23] =	ssyncadd.s32 $0xFFFFF000  }
0x8d: {  	_ =	swait.ge [sflag:s23], $0x1000  }
0x8e: {  	[sflag:s23] =	ssyncset.done $0x0  }
0x8f: {  	[sflag:s23] =	ssyncadd.s32 $0xFFFFF000  }
0x90: {  	_ =	swait.ge [sflag:s23], $0x1000  }
0x91: {  	[sflag:s23] =	ssyncset.done $0x0  }
0x92: {  	[sflag:s23] =	ssyncadd.s32 $0xFFFFF000  }
0x93: {  	_ =	swait.ge [sflag:s23], $0x1000  }
0x94: {  	[sflag:s23] =	ssyncset.done $0x0  }
0x95: {  	[sflag:s23] =	ssyncadd.s32 $0xFFFFF000  }
0x96: {  	_ =	swait.ge [sflag:s23], $0x1000  }
0x97: {  	[sflag:s23] =	ssyncset.done $0x0  }
0x98: {  	[sflag:s23] =	ssyncadd.s32 $0xFFFFF000  }
0x99: {  	s24 =	sadd.s32 $0x1, s24;
	_ =	swait.ge [sflag:s23], $0x1000  }
0x9a: {  	p0 =	sne.s32 s24, s4;
	[sflag:s23] =	ssyncset.done $0x0  }
.Ltmp1:
0x9b: {  	[sflag:s23] =	ssyncadd.s32 $0xFFFFF000;
	(pc) =	sbr.rel @p0 .LBB2_1-.Ltmp1, $4  }
0x9c: {  	[hbm4b:s25+s2] =	stream.linear.scatter [tilespmem:s9], [sflag:$0x2], $0x8000, $0x38;
	[tilespmem:$0x8400] =	vst v63  }
0x9d: {  	_ =	swait.ge [sflag:s7], $0x8000  }
0x9e: {  	[sflag:s7] =	ssyncset.done $0x0  }
0x9f: {  	[sflag:s7] =	ssyncadd.s32 $0xFFFF8000  }
0xa0: {  	_ =	sfence.sel $0x180000  }
0xa1: {  	[bflag:$0x0] =	sbarrier.arrive $0xFFFF  }
0xa2: {  	p0 =	sne.s32 s1, $0x0;
	_ =	strace $0x90000047  }
0xa3: {  	s0 =	sadd.s32 @!p0 $0x100000, s0;
	[bflag:$0x2] =	sbarrier.arrive $0xFFFF  }
0xa4: {  	[sflag:s0] =	ssyncadd.tile.s32 @!p0 $0x1;
	_ =	shalt  }
.Lfunc_end2:
_tile_overlayer_lowered:
.L_overlay_start_2:
0xa5: {  	(tag) =	ssettag $0x2  }
0xa6: {  	s0 =	rddreg [dreg:$0x0];
	s2 =	stileid.u32  }
0xa7: {  	s1 =	rddreg [dreg:$0x1];
	p0 =	sne.s32 s2, $0x0  }
0xa8: {  	s3 =	rddreg [dreg:$0x2];
	[bflag:$0x3] =	sbarrier.arrive $0xFFFF;
	s2 =	simm.s32 @!p0 $0x1C02  }
0xa9: {  	[timem:s3], [sflag:s2] =	dma.local @!p0 [hbm:s0], s1  }
0xaa: {  	s0 =	simm.s32 @!p0 $0x2  }
0xab: {  	_ =	swait.ge @!p0 [sflag:s0], s1  }
0xac: {  	s1 =	ssub.s32 @!p0 $0x0, s1;
	[sflag:s0] =	ssyncset.done @!p0 $0x0  }
0xad: {  	[sflag:s0] =	ssyncadd.s32 @!p0 s1  }
0xae: {  	[bflag:$0x3] =	sbarrier.arrive $0xFFFF  }
0xaf: {  	_ =	shalt  }

</sc_bundles>
